<compile_context>
chip_gen: v7x
topology: tpu7x:2x2x1
jax: 0.10.2.dev20260603
libtpu: 0.0.44.dev20260713+nightly
codegen_flags: <defaults>
</compile_context>

<pallas_src>
import functools

import jax
import jax.numpy as jnp
from jax import lax
from jax.experimental import pallas as pl
from jax.experimental.pallas import tpu as pltpu
from jax.experimental.pallas import tpu_sc as plsc

NC = 2
NS = 16
NW = NC * NS
CHUNK = 128
NBUF = 2

NEG = -1e30


def _make_sc_segsum(e_pad, n_pad, h):
  epw = e_pad // NW
  n_chunks = epw // CHUNK
  rps = n_pad // NS
  n_zero = rps // CHUNK
  nbuf = NBUF
  assert n_chunks % nbuf == 0

  mesh = plsc.VectorSubcoreMesh(core_axis_name="c", subcore_axis_name="s")

  @functools.partial(
      pl.kernel,
      out_type=jax.ShapeDtypeStruct((NC * n_pad, h), jnp.float32),
      mesh=mesh,
      scratch_types=[
          pltpu.VMEM((n_chunks, CHUNK), jnp.int32),
          pltpu.VMEM((n_chunks, CHUNK), jnp.int32),
          [pltpu.VMEM((CHUNK, h), jnp.float32)] * nbuf,
          [pltpu.SemaphoreType.DMA] * nbuf,
          [pltpu.SemaphoreType.DMA] * nbuf,
          pltpu.VMEM_SHARED((n_pad, h), jnp.float32),
      ],
  )
  def segsum(src_hbm, dst_hbm, y_hbm, out_hbm, src_v, dst_v, rows, gsem, ssem,
             agg_sh):
    cid = lax.axis_index("c")
    sid = lax.axis_index("s")
    wid = sid * NC + cid

    pltpu.async_copy(src_hbm.at[wid], src_v, gsem[0])
    pltpu.async_copy(dst_hbm.at[wid], dst_v, gsem[1])

    @pl.loop(0, CHUNK)
    def _(i):
      for j in range(h // 16):
        rows[0][pl.ds(i, 1), pl.ds(j * 16, 16)] = jnp.zeros((1, 16),
                                                            jnp.float32)

    @pl.loop(0, n_zero)
    def _(k):
      pltpu.sync_copy(rows[0], agg_sh.at[pl.ds(sid * rps + k * CHUNK, CHUNK)])

    pltpu.make_async_copy(src_hbm.at[wid], src_v, gsem[0]).wait()
    pltpu.make_async_copy(dst_hbm.at[wid], dst_v, gsem[1]).wait()
    plsc.subcore_barrier()

    for b in range(nbuf):
      pltpu.async_copy(y_hbm.at[src_v.at[b]], rows[b], gsem[b])

    @pl.loop(0, n_chunks, step=nbuf)
    def _(c):
      for b in range(nbuf):
        k = c + b
        pltpu.make_async_copy(y_hbm.at[src_v.at[k]], rows[b], gsem[b]).wait()
        pltpu.async_copy(rows[b], agg_sh.at[dst_v.at[k]], ssem[b], add=True)
      for b in range(nbuf):
        k = c + b
        pltpu.make_async_copy(rows[b], agg_sh.at[dst_v.at[k]], ssem[b]).wait()

        @pl.when(k + nbuf < n_chunks)
        def _():
          pltpu.async_copy(y_hbm.at[src_v.at[k + nbuf]], rows[b], gsem[b])

    plsc.subcore_barrier()

    pltpu.sync_copy(agg_sh.at[pl.ds(sid * rps, rps)],
                    out_hbm.at[pl.ds(cid * n_pad + sid * rps, rps)])

  return segsum


def _tc_in_body(x_ref, w_ref, b_ref, y_ref, r_ref, *, h):
  out = jnp.dot(x_ref[...], w_ref[...], preferred_element_type=jnp.float32)
  y_ref[...] = out[:, :h]
  r_ref[...] = out[:, h:] + b_ref[...]


def _tc_mid_body(p0_ref, p1_ref, r_ref, w_ref, b_ref, x_ref, y_ref, rn_ref,
                 *, h):
  x = jnp.maximum(p0_ref[...] + p1_ref[...] + r_ref[...], 0.0)
  out = jnp.dot(x, w_ref[...], preferred_element_type=jnp.float32)
  x_ref[...] = x
  y_ref[...] = out[:, :h]
  rn_ref[...] = out[:, h:] + b_ref[...]


def _tc_out_body(p0_ref, p1_ref, r_ref, x1_ref, x2_ref, wl1_ref, wl2_ref,
                 wl3_ref, b_ref, o_ref):
  x3 = jnp.maximum(p0_ref[...] + p1_ref[...] + r_ref[...], 0.0)
  logits = (
      jnp.dot(x1_ref[...], wl1_ref[...], preferred_element_type=jnp.float32)
      + jnp.dot(x2_ref[...], wl2_ref[...], preferred_element_type=jnp.float32)
      + jnp.dot(x3, wl3_ref[...], preferred_element_type=jnp.float32)
      + b_ref[...])
  m = jnp.max(logits, axis=-1, keepdims=True)
  e = jnp.exp(logits - m)
  lse = jnp.log(jnp.sum(e, axis=-1, keepdims=True))
  o_ref[...] = logits - m - lse


def kernel(x0, edge_index, W_rel1, b_rel1, W_root1, W_rel2, b_rel2, W_root2,
           W_rel3, b_rel3, W_root3, W_lin, b_lin):
  n, f_in = x0.shape
  h = W_rel1.shape[1]
  c_out = W_lin.shape[1]
  e = edge_index.shape[1]

  eq = NW * CHUNK * NBUF
  e_pad = ((e + eq - 1) // eq) * eq
  n_pad = ((n + 1 + NS * CHUNK - 1) // (NS * CHUNK)) * (NS * CHUNK)

  n_chunks = e_pad // (NW * CHUNK)
  src = edge_index[0].astype(jnp.int32)
  dst = edge_index[1].astype(jnp.int32)
  pad = e_pad - e
  src = jnp.concatenate([src, jnp.zeros((pad,), jnp.int32)])
  dst = jnp.concatenate([dst, jnp.full((pad,), n, jnp.int32)])
  src = src.reshape(NW, n_chunks, CHUNK)
  dst = dst.reshape(NW, n_chunks, CHUNK)

  segsum = _make_sc_segsum(e_pad, n_pad, h)

  br = 512
  grid = (pl.cdiv(n, br),)
  nb = n_pad // br

  row_spec = pl.BlockSpec((br, h), lambda i: (i, 0))
  p0_spec = pl.BlockSpec((br, h), lambda i: (i, 0))
  p1_spec = pl.BlockSpec((br, h), lambda i, _nb=nb: (i + _nb, 0))
  full = lambda s: pl.BlockSpec(s, lambda i, _s=s: tuple(0 for _ in _s))
  out_rh = jax.ShapeDtypeStruct((n, h), jnp.float32)

  b1 = b_rel1.reshape(1, h)
  b2 = b_rel2.reshape(1, h)
  b3 = b_rel3.reshape(1, h)

  c_pad = 128
  wl = jnp.pad(W_lin, ((0, 0), (0, c_pad - c_out)))
  wl1, wl2, wl3 = wl[:h], wl[h:2 * h], wl[2 * h:]
  bl = jnp.pad(b_lin, (0, c_pad - c_out), constant_values=NEG).reshape(
      1, c_pad)

  wc1 = jnp.concatenate([W_rel1, W_root1], axis=1)
  wc2 = jnp.concatenate([W_rel2, W_root2], axis=1)
  wc3 = jnp.concatenate([W_rel3, W_root3], axis=1)

  tc_in = pl.pallas_call(
      functools.partial(_tc_in_body, h=h),
      grid=grid,
      in_specs=[pl.BlockSpec((br, f_in), lambda i: (i, 0)),
                full((f_in, 2 * h)), full((1, h))],
      out_specs=[row_spec, row_spec],
      out_shape=[out_rh, out_rh],
  )

  tc_mid = pl.pallas_call(
      functools.partial(_tc_mid_body, h=h),
      grid=grid,
      in_specs=[p0_spec, p1_spec, row_spec, full((h, 2 * h)), full((1, h))],
      out_specs=[row_spec, row_spec, row_spec],
      out_shape=[out_rh, out_rh, out_rh],
  )

  tc_out = pl.pallas_call(
      _tc_out_body,
      grid=grid,
      in_specs=[p0_spec, p1_spec, row_spec, row_spec, row_spec,
                full((h, c_pad)), full((h, c_pad)), full((h, c_pad)),
                full((1, c_pad))],
      out_specs=pl.BlockSpec((br, c_pad), lambda i: (i, 0)),
      out_shape=jax.ShapeDtypeStruct((n, c_pad), jnp.float32),
  )

  y1, r1 = tc_in(x0, wc1, b1)
  p1 = segsum(src, dst, y1)
  x1, y2, r2 = tc_mid(p1, p1, r1, wc2, b2)
  p2 = segsum(src, dst, y2)
  x2, y3, r3 = tc_mid(p2, p2, r2, wc3, b3)
  p3 = segsum(src, dst, y3)
  out = tc_out(p3, p3, r3, x1, x2, wl1, wl2, wl3, bl)
  return out[:, :c_out]

# --- scband reference (transcript-rebuilt; emitter-appended) ---
"""Pipeline reference for scband-net-7473243095259 (READ-ONLY COPY).

The authoritative reference and input builder live on the scoring server;
editing this copy changes nothing except your own understanding.
"""

import jax, jax.numpy as jnp
import numpy as np

N = 10000
E = 160000
F_IN = 500
H = 128
C = 7


def setup_inputs(seed: int = 0) -> dict:
    key = jax.random.key(seed)
    ks = jax.random.split(key, 12)
    x0 = jax.random.normal(ks[0], (N, F_IN), dtype=jnp.float32)
    edge_index = jax.random.randint(ks[1], (2, E), 0, N, dtype=jnp.int64)
    s1 = 1.0 / np.sqrt(F_IN)
    sh = 1.0 / np.sqrt(H)
    sl = 1.0 / np.sqrt(3 * H)
    return {
        'x0': x0,
        'edge_index': edge_index,
        'W_rel1': jax.random.normal(ks[2], (F_IN, H), dtype=jnp.float32) * s1,
        'b_rel1': jnp.zeros((H,), dtype=jnp.float32),
        'W_root1': jax.random.normal(ks[3], (F_IN, H), dtype=jnp.float32) * s1,
        'W_rel2': jax.random.normal(ks[4], (H, H), dtype=jnp.float32) * sh,
        'b_rel2': jnp.zeros((H,), dtype=jnp.float32),
        'W_root2': jax.random.normal(ks[5], (H, H), dtype=jnp.float32) * sh,
        'W_rel3': jax.random.normal(ks[6], (H, H), dtype=jnp.float32) * sh,
        'b_rel3': jnp.zeros((H,), dtype=jnp.float32),
        'W_root3': jax.random.normal(ks[7], (H, H), dtype=jnp.float32) * sh,
        'W_lin': jax.random.normal(ks[8], (3 * H, C), dtype=jnp.float32) * sl,
        'b_lin': jnp.zeros((C,), dtype=jnp.float32),
    }


def _graph_conv(x, edge_index, W_rel, b_rel, W_root):
    # PyG GraphConv: out = lin_rel(aggr_add(x_j)) + lin_root(x)
    src = edge_index[0]
    dst = edge_index[1]
    msgs = jnp.take(x, src, axis=0)
    agg = jax.ops.segment_sum(msgs, dst, num_segments=x.shape[0])
    return agg @ W_rel + b_rel + x @ W_root


def reference(x0, edge_index, W_rel1, b_rel1, W_root1, W_rel2, b_rel2, W_root2,
              W_rel3, b_rel3, W_root3, W_lin, b_lin):
    # dropout is identity in eval mode (training=False)
    x1 = jax.nn.relu(_graph_conv(x0, edge_index, W_rel1, b_rel1, W_root1))
    x2 = jax.nn.relu(_graph_conv(x1, edge_index, W_rel2, b_rel2, W_root2))
    x3 = jax.nn.relu(_graph_conv(x2, edge_index, W_rel3, b_rel3, W_root3))
    x = jnp.concatenate([x1, x2, x3], axis=-1)
    x = x @ W_lin + b_lin
    return jax.nn.log_softmax(x, axis=-1)

if __name__ == "__main__":
    import jax
    _d = setup_inputs()
    print(jax.jit(kernel)(*tuple(_d.values())))

</pallas_src>

<mosaic_0001>
#map = affine_map<(d0, d1) -> (0, 0, 0)>
#map1 = affine_map<(d0, d1) -> (0, 0)>
module attributes {stable_mosaic.version = 14 : i64} {
  func.func @segsum(%arg0: i32, %arg1: i32, %arg2: memref<32x40x128xi32, #tpu.memory_space<hbm>>, %arg3: memref<32x40x128xi32, #tpu.memory_space<hbm>>, %arg4: memref<10000x128xf32, #tpu.memory_space<hbm>>, %arg5: memref<20480x128xf32, #tpu.memory_space<hbm>>, %arg6: memref<40x128xi32, #tpu.memory_space<vmem>>, %arg7: memref<40x128xi32, #tpu.memory_space<vmem>>, %arg8: memref<128x128xf32, #tpu.memory_space<vmem>>, %arg9: memref<128x128xf32, #tpu.memory_space<vmem>>, %arg10: memref<!tpu.dma_semaphore, #tpu.memory_space<semaphore_mem>>, %arg11: memref<!tpu.dma_semaphore, #tpu.memory_space<semaphore_mem>>, %arg12: memref<!tpu.dma_semaphore, #tpu.memory_space<semaphore_mem>>, %arg13: memref<!tpu.dma_semaphore, #tpu.memory_space<semaphore_mem>>, %arg14: memref<10240x128xf32, #tpu.memory_space<vmem_shared>>) attributes {dimension_semantics = [#tpu.dimension_semantics<core_parallel>, #tpu.dimension_semantics<subcore_parallel>], iteration_bounds = array<i64: 2, 16>, scalar_prefetch = 0 : i64, scratch_operands = 9 : i64, tpu.core_type = #tpu.core_type<sc_vector_subcore>, window_params = [{transform_indices = #map}, {transform_indices = #map}, {transform_indices = #map1}, {transform_indices = #map1}]} {
    %mul3A = arith.constant 2 : i32
    %mul3A_0 = arith.muli %arg1, %mul3A : i32
    %add3A = arith.addi %mul3A_0, %arg0 : i32
    %dma_start3A = arith.constant 0 : i32
    %dma_start3A_1 = arith.constant 0 : i32
    %dma_start3A_2 = tpu.memref_slice %arg2[%add3A, %dma_start3A, %dma_start3A_1] : memref<32x40x128xi32, #tpu.memory_space<hbm>> -> memref<1x40x128xi32, #tpu.memory_space<hbm>>
    %dma_start3A_3 = tpu.memref_squeeze %dma_start3A_2 : memref<1x40x128xi32, #tpu.memory_space<hbm>> -> memref<40x128xi32, #tpu.memory_space<hbm>>
    %dma_start3A_4 = arith.constant 0 : i32
    %dma_start3A_5 = arith.constant 0 : i32
    %dma_start3A_6 = tpu.memref_slice %arg2[%add3A, %dma_start3A_4, %dma_start3A_5] : memref<32x40x128xi32, #tpu.memory_space<hbm>> -> memref<1x40x128xi32, #tpu.memory_space<hbm>>
    %dma_start3A_7 = tpu.memref_squeeze %dma_start3A_6 : memref<1x40x128xi32, #tpu.memory_space<hbm>> -> memref<40x128xi32, #tpu.memory_space<hbm>>
    tpu.enqueue_dma source(%dma_start3A_7 : memref<40x128xi32, #tpu.memory_space<hbm>>) target(%arg6 : memref<40x128xi32, #tpu.memory_space<vmem>>) target_semaphore(%arg10 : memref<!tpu.dma_semaphore, #tpu.memory_space<semaphore_mem>>)
    %dma_start3A_8 = arith.constant 0 : i32
    %dma_start3A_9 = arith.constant 0 : i32
    %dma_start3A_10 = tpu.memref_slice %arg3[%add3A, %dma_start3A_8, %dma_start3A_9] : memref<32x40x128xi32, #tpu.memory_space<hbm>> -> memref<1x40x128xi32, #tpu.memory_space<hbm>>
    %dma_start3A_11 = tpu.memref_squeeze %dma_start3A_10 : memref<1x40x128xi32, #tpu.memory_space<hbm>> -> memref<40x128xi32, #tpu.memory_space<hbm>>
    %dma_start3A_12 = arith.constant 0 : i32
    %dma_start3A_13 = arith.constant 0 : i32
    %dma_start3A_14 = tpu.memref_slice %arg3[%add3A, %dma_start3A_12, %dma_start3A_13] : memref<32x40x128xi32, #tpu.memory_space<hbm>> -> memref<1x40x128xi32, #tpu.memory_space<hbm>>
    %dma_start3A_15 = tpu.memref_squeeze %dma_start3A_14 : memref<1x40x128xi32, #tpu.memory_space<hbm>> -> memref<40x128xi32, #tpu.memory_space<hbm>>
    tpu.enqueue_dma source(%dma_start3A_15 : memref<40x128xi32, #tpu.memory_space<hbm>>) target(%arg7 : memref<40x128xi32, #tpu.memory_space<vmem>>) target_semaphore(%arg11 : memref<!tpu.dma_semaphore, #tpu.memory_space<semaphore_mem>>)
    %scan3A = arith.constant 0 : i32
    %scan3A_16 = arith.constant 128 : i32
    %scan3A_17 = arith.addi %scan3A, %scan3A_16 : i32
    %scan3A_18 = arith.constant 1 : i32
    scf.for %scan3A_67 = %scan3A to %scan3A_17 step %scan3A_18  : i32 {
      %mul3A_68 = arith.constant 1 : i32
      %mul3A_69 = arith.muli %scan3A_67, %mul3A_68 : i32
      %add3A_70 = arith.constant 0 : i32
      %add3A_71 = arith.addi %add3A_70, %mul3A_69 : i32
      %broadcast_in_dim3A = arith.constant 0.000000e+00 : f32
      %broadcast_in_dim3A_72 = vector.broadcast %broadcast_in_dim3A : f32 to vector<1x16xf32>
      %swap3A = arith.index_cast %add3A_71 : i32 to index
      %swap3A_73 = arith.constant 0 : index
      %swap3A_74 = tpu.vector_load %arg8[%swap3A, %swap3A_73] {strides = array<i32>} : memref<128x128xf32, #tpu.memory_space<vmem>>, vector<1x16xf32>,
      %swap3A_75 = vector.shape_cast %swap3A_74 : vector<1x16xf32> to vector<1x16xf32>
      %swap3A_76 = vector.shape_cast %broadcast_in_dim3A_72 : vector<1x16xf32> to vector<1x16xf32>
      tpu.vector_store %arg8[%swap3A, %swap3A_73], %swap3A_76 {strides = array<i32>} : memref<128x128xf32, #tpu.memory_space<vmem>>, vector<1x16xf32>,
      %broadcast_in_dim3A_77 = arith.constant 0.000000e+00 : f32
      %broadcast_in_dim3A_78 = vector.broadcast %broadcast_in_dim3A_77 : f32 to vector<1x16xf32>
      %swap3A_79 = arith.index_cast %add3A_71 : i32 to index
      %swap3A_80 = arith.constant 16 : index
      %swap3A_81 = tpu.vector_load %arg8[%swap3A_79, %swap3A_80] {strides = array<i32>} : memref<128x128xf32, #tpu.memory_space<vmem>>, vector<1x16xf32>,
      %swap3A_82 = vector.shape_cast %swap3A_81 : vector<1x16xf32> to vector<1x16xf32>
      %swap3A_83 = vector.shape_cast %broadcast_in_dim3A_78 : vector<1x16xf32> to vector<1x16xf32>
      tpu.vector_store %arg8[%swap3A_79, %swap3A_80], %swap3A_83 {strides = array<i32>} : memref<128x128xf32, #tpu.memory_space<vmem>>, vector<1x16xf32>,
      %broadcast_in_dim3A_84 = arith.constant 0.000000e+00 : f32
      %broadcast_in_dim3A_85 = vector.broadcast %broadcast_in_dim3A_84 : f32 to vector<1x16xf32>
      %swap3A_86 = arith.index_cast %add3A_71 : i32 to index
      %swap3A_87 = arith.constant 32 : index
      %swap3A_88 = tpu.vector_load %arg8[%swap3A_86, %swap3A_87] {strides = array<i32>} : memref<128x128xf32, #tpu.memory_space<vmem>>, vector<1x16xf32>,
      %swap3A_89 = vector.shape_cast %swap3A_88 : vector<1x16xf32> to vector<1x16xf32>
      %swap3A_90 = vector.shape_cast %broadcast_in_dim3A_85 : vector<1x16xf32> to vector<1x16xf32>
      tpu.vector_store %arg8[%swap3A_86, %swap3A_87], %swap3A_90 {strides = array<i32>} : memref<128x128xf32, #tpu.memory_space<vmem>>, vector<1x16xf32>,
      %broadcast_in_dim3A_91 = arith.constant 0.000000e+00 : f32
      %broadcast_in_dim3A_92 = vector.broadcast %broadcast_in_dim3A_91 : f32 to vector<1x16xf32>
      %swap3A_93 = arith.index_cast %add3A_71 : i32 to index
      %swap3A_94 = arith.constant 48 : index
      %swap3A_95 = tpu.vector_load %arg8[%swap3A_93, %swap3A_94] {strides = array<i32>} : memref<128x128xf32, #tpu.memory_space<vmem>>, vector<1x16xf32>,
      %swap3A_96 = vector.shape_cast %swap3A_95 : vector<1x16xf32> to vector<1x16xf32>
      %swap3A_97 = vector.shape_cast %broadcast_in_dim3A_92 : vector<1x16xf32> to vector<1x16xf32>
      tpu.vector_store %arg8[%swap3A_93, %swap3A_94], %swap3A_97 {strides = array<i32>} : memref<128x128xf32, #tpu.memory_space<vmem>>, vector<1x16xf32>,
      %broadcast_in_dim3A_98 = arith.constant 0.000000e+00 : f32
      %broadcast_in_dim3A_99 = vector.broadcast %broadcast_in_dim3A_98 : f32 to vector<1x16xf32>
      %swap3A_100 = arith.index_cast %add3A_71 : i32 to index
      %swap3A_101 = arith.constant 64 : index
      %swap3A_102 = tpu.vector_load %arg8[%swap3A_100, %swap3A_101] {strides = array<i32>} : memref<128x128xf32, #tpu.memory_space<vmem>>, vector<1x16xf32>,
      %swap3A_103 = vector.shape_cast %swap3A_102 : vector<1x16xf32> to vector<1x16xf32>
      %swap3A_104 = vector.shape_cast %broadcast_in_dim3A_99 : vector<1x16xf32> to vector<1x16xf32>
      tpu.vector_store %arg8[%swap3A_100, %swap3A_101], %swap3A_104 {strides = array<i32>} : memref<128x128xf32, #tpu.memory_space<vmem>>, vector<1x16xf32>,
      %broadcast_in_dim3A_105 = arith.constant 0.000000e+00 : f32
      %broadcast_in_dim3A_106 = vector.broadcast %broadcast_in_dim3A_105 : f32 to vector<1x16xf32>
      %swap3A_107 = arith.index_cast %add3A_71 : i32 to index
      %swap3A_108 = arith.constant 80 : index
      %swap3A_109 = tpu.vector_load %arg8[%swap3A_107, %swap3A_108] {strides = array<i32>} : memref<128x128xf32, #tpu.memory_space<vmem>>, vector<1x16xf32>,
      %swap3A_110 = vector.shape_cast %swap3A_109 : vector<1x16xf32> to vector<1x16xf32>
      %swap3A_111 = vector.shape_cast %broadcast_in_dim3A_106 : vector<1x16xf32> to vector<1x16xf32>
      tpu.vector_store %arg8[%swap3A_107, %swap3A_108], %swap3A_111 {strides = array<i32>} : memref<128x128xf32, #tpu.memory_space<vmem>>, vector<1x16xf32>,
      %broadcast_in_dim3A_112 = arith.constant 0.000000e+00 : f32
      %broadcast_in_dim3A_113 = vector.broadcast %broadcast_in_dim3A_112 : f32 to vector<1x16xf32>
      %swap3A_114 = arith.index_cast %add3A_71 : i32 to index
      %swap3A_115 = arith.constant 96 : index
      %swap3A_116 = tpu.vector_load %arg8[%swap3A_114, %swap3A_115] {strides = array<i32>} : memref<128x128xf32, #tpu.memory_space<vmem>>, vector<1x16xf32>,
      %swap3A_117 = vector.shape_cast %swap3A_116 : vector<1x16xf32> to vector<1x16xf32>
      %swap3A_118 = vector.shape_cast %broadcast_in_dim3A_113 : vector<1x16xf32> to vector<1x16xf32>
      tpu.vector_store %arg8[%swap3A_114, %swap3A_115], %swap3A_118 {strides = array<i32>} : memref<128x128xf32, #tpu.memory_space<vmem>>, vector<1x16xf32>,
      %broadcast_in_dim3A_119 = arith.constant 0.000000e+00 : f32
      %broadcast_in_dim3A_120 = vector.broadcast %broadcast_in_dim3A_119 : f32 to vector<1x16xf32>
      %swap3A_121 = arith.index_cast %add3A_71 : i32 to index
      %swap3A_122 = arith.constant 112 : index
      %swap3A_123 = tpu.vector_load %arg8[%swap3A_121, %swap3A_122] {strides = array<i32>} : memref<128x128xf32, #tpu.memory_space<vmem>>, vector<1x16xf32>,
      %swap3A_124 = vector.shape_cast %swap3A_123 : vector<1x16xf32> to vector<1x16xf32>
      %swap3A_125 = vector.shape_cast %broadcast_in_dim3A_120 : vector<1x16xf32> to vector<1x16xf32>
      tpu.vector_store %arg8[%swap3A_121, %swap3A_122], %swap3A_125 {strides = array<i32>} : memref<128x128xf32, #tpu.memory_space<vmem>>, vector<1x16xf32>,
    }
    %scan3A_19 = arith.constant 128 : i32
    %scan3A_20 = arith.constant 0 : i32
    %scan3A_21 = arith.constant 5 : i32
    %scan3A_22 = arith.addi %scan3A_20, %scan3A_21 : i32
    %scan3A_23 = arith.constant 1 : i32
    scf.for %scan3A_67 = %scan3A_20 to %scan3A_22 step %scan3A_23  : i32 {
      %mul3A_68 = arith.constant 1 : i32
      %mul3A_69 = arith.muli %scan3A_67, %mul3A_68 : i32
      %add3A_70 = arith.constant 0 : i32
      %add3A_71 = arith.addi %add3A_70, %mul3A_69 : i32
      %mul3A_72 = arith.constant 640 : i32
      %mul3A_73 = arith.muli %arg1, %mul3A_72 : i32
      %mul3A_74 = arith.constant 128 : i32
      %mul3A_75 = arith.muli %add3A_71, %mul3A_74 : i32
      %add3A_76 = arith.addi %mul3A_73, %mul3A_75 : i32
      "tpu.region"() ({
        %run_scoped3A = tpu.sem_alloc : memref<!tpu.dma_semaphore, #tpu.memory_space<semaphore_mem>>
        %dma_start3A_77 = arith.constant 0 : i32
        %dma_start3A_78 = tpu.memref_slice %arg14[%add3A_76, %dma_start3A_77] : memref<10240x128xf32, #tpu.memory_space<vmem_shared>> -> memref<128x128xf32, #tpu.memory_space<vmem_shared>>
        %dma_start3A_79 = arith.constant 0 : i32
        %dma_start3A_80 = tpu.memref_slice %arg14[%add3A_76, %dma_start3A_79] : memref<10240x128xf32, #tpu.memory_space<vmem_shared>> -> memref<128x128xf32, #tpu.memory_space<vmem_shared>>
        tpu.enqueue_dma source(%arg8 : memref<128x128xf32, #tpu.memory_space<vmem>>) target(%dma_start3A_80 : memref<128x128xf32, #tpu.memory_space<vmem_shared>>) target_semaphore(%run_scoped3A : memref<!tpu.dma_semaphore, #tpu.memory_space<semaphore_mem>>)
        %dma_wait3A_81 = arith.constant 0 : i32
        %dma_wait3A_82 = tpu.memref_slice %arg14[%add3A_76, %dma_wait3A_81] : memref<10240x128xf32, #tpu.memory_space<vmem_shared>> -> memref<128x128xf32, #tpu.memory_space<vmem_shared>>
        %dma_wait3A_83 = arith.constant 0 : i32
        %dma_wait3A_84 = tpu.memref_slice %arg14[%add3A_76, %dma_wait3A_83] : memref<10240x128xf32, #tpu.memory_space<vmem_shared>> -> memref<128x128xf32, #tpu.memory_space<vmem_shared>>
        tpu.wait_dma2 semaphore(%run_scoped3A : memref<!tpu.dma_semaphore, #tpu.memory_space<semaphore_mem>>) src(%arg8 : memref<128x128xf32, #tpu.memory_space<vmem>>) dst(%dma_wait3A_84 : memref<128x128xf32, #tpu.memory_space<vmem_shared>>)
        tpu.yield
      }) : () -> ()
    }
    %scan3A_24 = arith.constant 5 : i32
    %dma_wait3A = arith.constant 0 : i32
    %dma_wait3A_25 = arith.constant 0 : i32
    %dma_wait3A_26 = tpu.memref_slice %arg2[%add3A, %dma_wait3A, %dma_wait3A_25] : memref<32x40x128xi32, #tpu.memory_space<hbm>> -> memref<1x40x128xi32, #tpu.memory_space<hbm>>
    %dma_wait3A_27 = tpu.memref_squeeze %dma_wait3A_26 : memref<1x40x128xi32, #tpu.memory_space<hbm>> -> memref<40x128xi32, #tpu.memory_space<hbm>>
    %dma_wait3A_28 = arith.constant 0 : i32
    %dma_wait3A_29 = arith.constant 0 : i32
    %dma_wait3A_30 = tpu.memref_slice %arg2[%add3A, %dma_wait3A_28, %dma_wait3A_29] : memref<32x40x128xi32, #tpu.memory_space<hbm>> -> memref<1x40x128xi32, #tpu.memory_space<hbm>>
    %dma_wait3A_31 = tpu.memref_squeeze %dma_wait3A_30 : memref<1x40x128xi32, #tpu.memory_space<hbm>> -> memref<40x128xi32, #tpu.memory_space<hbm>>
    tpu.wait_dma2 semaphore(%arg10 : memref<!tpu.dma_semaphore, #tpu.memory_space<semaphore_mem>>) src(%dma_wait3A_31 : memref<40x128xi32, #tpu.memory_space<hbm>>) dst(%arg6 : memref<40x128xi32, #tpu.memory_space<vmem>>)
    %dma_wait3A_32 = arith.constant 0 : i32
    %dma_wait3A_33 = arith.constant 0 : i32
    %dma_wait3A_34 = tpu.memref_slice %arg3[%add3A, %dma_wait3A_32, %dma_wait3A_33] : memref<32x40x128xi32, #tpu.memory_space<hbm>> -> memref<1x40x128xi32, #tpu.memory_space<hbm>>
    %dma_wait3A_35 = tpu.memref_squeeze %dma_wait3A_34 : memref<1x40x128xi32, #tpu.memory_space<hbm>> -> memref<40x128xi32, #tpu.memory_space<hbm>>
    %dma_wait3A_36 = arith.constant 0 : i32
    %dma_wait3A_37 = arith.constant 0 : i32
    %dma_wait3A_38 = tpu.memref_slice %arg3[%add3A, %dma_wait3A_36, %dma_wait3A_37] : memref<32x40x128xi32, #tpu.memory_space<hbm>> -> memref<1x40x128xi32, #tpu.memory_space<hbm>>
    %dma_wait3A_39 = tpu.memref_squeeze %dma_wait3A_38 : memref<1x40x128xi32, #tpu.memory_space<hbm>> -> memref<40x128xi32, #tpu.memory_space<hbm>>
    tpu.wait_dma2 semaphore(%arg11 : memref<!tpu.dma_semaphore, #tpu.memory_space<semaphore_mem>>) src(%dma_wait3A_39 : memref<40x128xi32, #tpu.memory_space<hbm>>) dst(%arg7 : memref<40x128xi32, #tpu.memory_space<vmem>>)
    %barrier3A = arith.constant 0 : index
    tpu.barrier barrier_id(%barrier3A)
    %dma_start3A_40 = arith.constant 0 : i32
    %dma_start3A_41 = arith.constant 0 : i32
    %dma_start3A_42 = tpu.memref_slice %arg6[%dma_start3A_40, %dma_start3A_41] : memref<40x128xi32, #tpu.memory_space<vmem>> -> memref<1x128xi32, #tpu.memory_space<vmem>>
    %dma_start3A_43 = tpu.memref_squeeze %dma_start3A_42 : memref<1x128xi32, #tpu.memory_space<vmem>> -> memref<128xi32, #tpu.memory_space<vmem>>
    %dma_start3A_44 = arith.constant 0 : i32
    %dma_start3A_45 = arith.constant 0 : i32
    %dma_start3A_46 = tpu.memref_slice %arg4[%dma_start3A_44, %dma_start3A_45] : memref<10000x128xf32, #tpu.memory_space<hbm>> -> memref<10000x128xf32, #tpu.memory_space<hbm>>
    tpu.enqueue_indirect_dma source(%dma_start3A_46 : memref<10000x128xf32, #tpu.memory_space<hbm>>) target(%arg8 : memref<128x128xf32, #tpu.memory_space<vmem>>) offsets(%dma_start3A_43 : memref<128xi32, #tpu.memory_space<vmem>>) semaphore(%arg10 : memref<!tpu.dma_semaphore, #tpu.memory_space<semaphore_mem>>)
    %dma_start3A_47 = arith.constant 1 : i32
    %dma_start3A_48 = arith.constant 0 : i32
    %dma_start3A_49 = tpu.memref_slice %arg6[%dma_start3A_47, %dma_start3A_48] : memref<40x128xi32, #tpu.memory_space<vmem>> -> memref<1x128xi32, #tpu.memory_space<vmem>>
    %dma_start3A_50 = tpu.memref_squeeze %dma_start3A_49 : memref<1x128xi32, #tpu.memory_space<vmem>> -> memref<128xi32, #tpu.memory_space<vmem>>
    %dma_start3A_51 = arith.constant 0 : i32
    %dma_start3A_52 = arith.constant 0 : i32
    %dma_start3A_53 = tpu.memref_slice %arg4[%dma_start3A_51, %dma_start3A_52] : memref<10000x128xf32, #tpu.memory_space<hbm>> -> memref<10000x128xf32, #tpu.memory_space<hbm>>
    tpu.enqueue_indirect_dma source(%dma_start3A_53 : memref<10000x128xf32, #tpu.memory_space<hbm>>) target(%arg9 : memref<128x128xf32, #tpu.memory_space<vmem>>) offsets(%dma_start3A_50 : memref<128xi32, #tpu.memory_space<vmem>>) semaphore(%arg11 : memref<!tpu.dma_semaphore, #tpu.memory_space<semaphore_mem>>)
    %scan3A_54 = arith.constant 0 : i32
    %scan3A_55 = arith.constant 20 : i32
    %scan3A_56 = arith.addi %scan3A_54, %scan3A_55 : i32
    %scan3A_57 = arith.constant 1 : i32
    scf.for %scan3A_67 = %scan3A_54 to %scan3A_56 step %scan3A_57  : i32 {
      %mul3A_68 = arith.constant 2 : i32
      %mul3A_69 = arith.muli %scan3A_67, %mul3A_68 : i32
      %add3A_70 = arith.constant 0 : i32
      %add3A_71 = arith.addi %add3A_70, %mul3A_69 : i32
      %add3A_72 = arith.constant 0 : i32
      %add3A_73 = arith.addi %add3A_71, %add3A_72 : i32
      %dma_wait3A_74 = arith.constant 0 : i32
      %dma_wait3A_75 = tpu.memref_slice %arg6[%add3A_73, %dma_wait3A_74] : memref<40x128xi32, #tpu.memory_space<vmem>> -> memref<1x128xi32, #tpu.memory_space<vmem>>
      %dma_wait3A_76 = tpu.memref_squeeze %dma_wait3A_75 : memref<1x128xi32, #tpu.memory_space<vmem>> -> memref<128xi32, #tpu.memory_space<vmem>>
      %dma_wait3A_77 = arith.constant 0 : i32
      %dma_wait3A_78 = arith.constant 0 : i32
      %dma_wait3A_79 = tpu.memref_slice %arg4[%dma_wait3A_77, %dma_wait3A_78] : memref<10000x128xf32, #tpu.memory_space<hbm>> -> memref<10000x128xf32, #tpu.memory_space<hbm>>
      tpu.wait_indirect_dma semaphore(%arg10 : memref<!tpu.dma_semaphore, #tpu.memory_space<semaphore_mem>>) src(%dma_wait3A_79 : memref<10000x128xf32, #tpu.memory_space<hbm>>) dst(%arg8 : memref<128x128xf32, #tpu.memory_space<vmem>>)
      %dma_start3A_80 = arith.constant 0 : i32
      %dma_start3A_81 = tpu.memref_slice %arg7[%add3A_73, %dma_start3A_80] : memref<40x128xi32, #tpu.memory_space<vmem>> -> memref<1x128xi32, #tpu.memory_space<vmem>>
      %dma_start3A_82 = tpu.memref_squeeze %dma_start3A_81 : memref<1x128xi32, #tpu.memory_space<vmem>> -> memref<128xi32, #tpu.memory_space<vmem>>
      %dma_start3A_83 = arith.constant 0 : i32
      %dma_start3A_84 = arith.constant 0 : i32
      %dma_start3A_85 = tpu.memref_slice %arg14[%dma_start3A_83, %dma_start3A_84] : memref<10240x128xf32, #tpu.memory_space<vmem_shared>> -> memref<10240x128xf32, #tpu.memory_space<vmem_shared>>
      tpu.enqueue_indirect_dma source(%arg8 : memref<128x128xf32, #tpu.memory_space<vmem>>) target(%dma_start3A_85 : memref<10240x128xf32, #tpu.memory_space<vmem_shared>>) offsets(%dma_start3A_82 : memref<128xi32, #tpu.memory_space<vmem>>) semaphore(%arg12 : memref<!tpu.dma_semaphore, #tpu.memory_space<semaphore_mem>>) {add = true}
      %add3A_86 = arith.constant 1 : i32
      %add3A_87 = arith.addi %add3A_71, %add3A_86 : i32
      %dma_wait3A_88 = arith.constant 0 : i32
      %dma_wait3A_89 = tpu.memref_slice %arg6[%add3A_87, %dma_wait3A_88] : memref<40x128xi32, #tpu.memory_space<vmem>> -> memref<1x128xi32, #tpu.memory_space<vmem>>
      %dma_wait3A_90 = tpu.memref_squeeze %dma_wait3A_89 : memref<1x128xi32, #tpu.memory_space<vmem>> -> memref<128xi32, #tpu.memory_space<vmem>>
      %dma_wait3A_91 = arith.constant 0 : i32
      %dma_wait3A_92 = arith.constant 0 : i32
      %dma_wait3A_93 = tpu.memref_slice %arg4[%dma_wait3A_91, %dma_wait3A_92] : memref<10000x128xf32, #tpu.memory_space<hbm>> -> memref<10000x128xf32, #tpu.memory_space<hbm>>
      tpu.wait_indirect_dma semaphore(%arg11 : memref<!tpu.dma_semaphore, #tpu.memory_space<semaphore_mem>>) src(%dma_wait3A_93 : memref<10000x128xf32, #tpu.memory_space<hbm>>) dst(%arg9 : memref<128x128xf32, #tpu.memory_space<vmem>>)
      %dma_start3A_94 = arith.constant 0 : i32
      %dma_start3A_95 = tpu.memref_slice %arg7[%add3A_87, %dma_start3A_94] : memref<40x128xi32, #tpu.memory_space<vmem>> -> memref<1x128xi32, #tpu.memory_space<vmem>>
      %dma_start3A_96 = tpu.memref_squeeze %dma_start3A_95 : memref<1x128xi32, #tpu.memory_space<vmem>> -> memref<128xi32, #tpu.memory_space<vmem>>
      %dma_start3A_97 = arith.constant 0 : i32
      %dma_start3A_98 = arith.constant 0 : i32
      %dma_start3A_99 = tpu.memref_slice %arg14[%dma_start3A_97, %dma_start3A_98] : memref<10240x128xf32, #tpu.memory_space<vmem_shared>> -> memref<10240x128xf32, #tpu.memory_space<vmem_shared>>
      tpu.enqueue_indirect_dma source(%arg9 : memref<128x128xf32, #tpu.memory_space<vmem>>) target(%dma_start3A_99 : memref<10240x128xf32, #tpu.memory_space<vmem_shared>>) offsets(%dma_start3A_96 : memref<128xi32, #tpu.memory_space<vmem>>) semaphore(%arg13 : memref<!tpu.dma_semaphore, #tpu.memory_space<semaphore_mem>>) {add = true}
      %add3A_100 = arith.constant 0 : i32
      %add3A_101 = arith.addi %add3A_71, %add3A_100 : i32
      %dma_wait3A_102 = arith.constant 0 : i32
      %dma_wait3A_103 = tpu.memref_slice %arg7[%add3A_101, %dma_wait3A_102] : memref<40x128xi32, #tpu.memory_space<vmem>> -> memref<1x128xi32, #tpu.memory_space<vmem>>
      %dma_wait3A_104 = tpu.memref_squeeze %dma_wait3A_103 : memref<1x128xi32, #tpu.memory_space<vmem>> -> memref<128xi32, #tpu.memory_space<vmem>>
      %dma_wait3A_105 = arith.constant 0 : i32
      %dma_wait3A_106 = arith.constant 0 : i32
      %dma_wait3A_107 = tpu.memref_slice %arg14[%dma_wait3A_105, %dma_wait3A_106] : memref<10240x128xf32, #tpu.memory_space<vmem_shared>> -> memref<10240x128xf32, #tpu.memory_space<vmem_shared>>
      tpu.wait_indirect_dma semaphore(%arg12 : memref<!tpu.dma_semaphore, #tpu.memory_space<semaphore_mem>>) src(%arg8 : memref<128x128xf32, #tpu.memory_space<vmem>>) dst(%dma_wait3A_107 : memref<10240x128xf32, #tpu.memory_space<vmem_shared>>)
      %add3A_108 = arith.constant 2 : i32
      %add3A_109 = arith.addi %add3A_101, %add3A_108 : i32
      %lt3A = arith.constant 40 : i32
      %lt3A_110 = arith.cmpi slt, %add3A_109, %lt3A : i32
      %convert_element_type3A = arith.extui %lt3A_110 : i1 to i32
      %cond3A = arith.constant 0 : i32
      %cond3A_111 = arith.cmpi ne, %convert_element_type3A, %cond3A : i32
      scf.if %cond3A_111 {
        %add3A_127 = arith.constant 2 : i32
        %add3A_128 = arith.addi %add3A_101, %add3A_127 : i32
        %dma_start3A_129 = arith.constant 0 : i32
        %dma_start3A_130 = tpu.memref_slice %arg6[%add3A_128, %dma_start3A_129] : memref<40x128xi32, #tpu.memory_space<vmem>> -> memref<1x128xi32, #tpu.memory_space<vmem>>
        %dma_start3A_131 = tpu.memref_squeeze %dma_start3A_130 : memref<1x128xi32, #tpu.memory_space<vmem>> -> memref<128xi32, #tpu.memory_space<vmem>>
        %dma_start3A_132 = arith.constant 0 : i32
        %dma_start3A_133 = arith.constant 0 : i32
        %dma_start3A_134 = tpu.memref_slice %arg4[%dma_start3A_132, %dma_start3A_133] : memref<10000x128xf32, #tpu.memory_space<hbm>> -> memref<10000x128xf32, #tpu.memory_space<hbm>>
        tpu.enqueue_indirect_dma source(%dma_start3A_134 : memref<10000x128xf32, #tpu.memory_space<hbm>>) target(%arg8 : memref<128x128xf32, #tpu.memory_space<vmem>>) offsets(%dma_start3A_131 : memref<128xi32, #tpu.memory_space<vmem>>) semaphore(%arg10 : memref<!tpu.dma_semaphore, #tpu.memory_space<semaphore_mem>>)
      } else {
      }
      %add3A_112 = arith.constant 1 : i32
      %add3A_113 = arith.addi %add3A_71, %add3A_112 : i32
      %dma_wait3A_114 = arith.constant 0 : i32
      %dma_wait3A_115 = tpu.memref_slice %arg7[%add3A_113, %dma_wait3A_114] : memref<40x128xi32, #tpu.memory_space<vmem>> -> memref<1x128xi32, #tpu.memory_space<vmem>>
      %dma_wait3A_116 = tpu.memref_squeeze %dma_wait3A_115 : memref<1x128xi32, #tpu.memory_space<vmem>> -> memref<128xi32, #tpu.memory_space<vmem>>
      %dma_wait3A_117 = arith.constant 0 : i32
      %dma_wait3A_118 = arith.constant 0 : i32
      %dma_wait3A_119 = tpu.memref_slice %arg14[%dma_wait3A_117, %dma_wait3A_118] : memref<10240x128xf32, #tpu.memory_space<vmem_shared>> -> memref<10240x128xf32, #tpu.memory_space<vmem_shared>>
      tpu.wait_indirect_dma semaphore(%arg13 : memref<!tpu.dma_semaphore, #tpu.memory_space<semaphore_mem>>) src(%arg9 : memref<128x128xf32, #tpu.memory_space<vmem>>) dst(%dma_wait3A_119 : memref<10240x128xf32, #tpu.memory_space<vmem_shared>>)
      %add3A_120 = arith.constant 2 : i32
      %add3A_121 = arith.addi %add3A_113, %add3A_120 : i32
      %lt3A_122 = arith.constant 40 : i32
      %lt3A_123 = arith.cmpi slt, %add3A_121, %lt3A_122 : i32
      %convert_element_type3A_124 = arith.extui %lt3A_123 : i1 to i32
      %cond3A_125 = arith.constant 0 : i32
      %cond3A_126 = arith.cmpi ne, %convert_element_type3A_124, %cond3A_125 : i32
      scf.if %cond3A_126 {
        %add3A_127 = arith.constant 2 : i32
        %add3A_128 = arith.addi %add3A_113, %add3A_127 : i32
        %dma_start3A_129 = arith.constant 0 : i32
        %dma_start3A_130 = tpu.memref_slice %arg6[%add3A_128, %dma_start3A_129] : memref<40x128xi32, #tpu.memory_space<vmem>> -> memref<1x128xi32, #tpu.memory_space<vmem>>
        %dma_start3A_131 = tpu.memref_squeeze %dma_start3A_130 : memref<1x128xi32, #tpu.memory_space<vmem>> -> memref<128xi32, #tpu.memory_space<vmem>>
        %dma_start3A_132 = arith.constant 0 : i32
        %dma_start3A_133 = arith.constant 0 : i32
        %dma_start3A_134 = tpu.memref_slice %arg4[%dma_start3A_132, %dma_start3A_133] : memref<10000x128xf32, #tpu.memory_space<hbm>> -> memref<10000x128xf32, #tpu.memory_space<hbm>>
        tpu.enqueue_indirect_dma source(%dma_start3A_134 : memref<10000x128xf32, #tpu.memory_space<hbm>>) target(%arg9 : memref<128x128xf32, #tpu.memory_space<vmem>>) offsets(%dma_start3A_131 : memref<128xi32, #tpu.memory_space<vmem>>) semaphore(%arg11 : memref<!tpu.dma_semaphore, #tpu.memory_space<semaphore_mem>>)
      } else {
      }
    }
    %scan3A_58 = arith.constant 20 : i32
    %barrier3A_59 = arith.constant 0 : index
    tpu.barrier barrier_id(%barrier3A_59)
    %mul3A_60 = arith.constant 640 : i32
    %mul3A_61 = arith.muli %arg1, %mul3A_60 : i32
    %mul3A_62 = arith.constant 10240 : i32
    %mul3A_63 = arith.muli %arg0, %mul3A_62 : i32
    %mul3A_64 = arith.constant 640 : i32
    %mul3A_65 = arith.muli %arg1, %mul3A_64 : i32
    %add3A_66 = arith.addi %mul3A_63, %mul3A_65 : i32
    "tpu.region"() ({
      %run_scoped3A = tpu.sem_alloc : memref<!tpu.dma_semaphore, #tpu.memory_space<semaphore_mem>>
      %dma_start3A_67 = arith.constant 0 : i32
      %dma_start3A_68 = tpu.memref_slice %arg5[%add3A_66, %dma_start3A_67] : memref<20480x128xf32, #tpu.memory_space<hbm>> -> memref<640x128xf32, #tpu.memory_space<hbm>>
      %dma_start3A_69 = arith.constant 0 : i32
      %dma_start3A_70 = tpu.memref_slice %arg14[%mul3A_61, %dma_start3A_69] : memref<10240x128xf32, #tpu.memory_space<vmem_shared>> -> memref<640x128xf32, #tpu.memory_space<vmem_shared>>
      tpu.enqueue_dma source(%dma_start3A_70 : memref<640x128xf32, #tpu.memory_space<vmem_shared>>) target(%dma_start3A_68 : memref<640x128xf32, #tpu.memory_space<hbm>>) target_semaphore(%run_scoped3A : memref<!tpu.dma_semaphore, #tpu.memory_space<semaphore_mem>>)
      %dma_wait3A_71 = arith.constant 0 : i32
      %dma_wait3A_72 = tpu.memref_slice %arg5[%add3A_66, %dma_wait3A_71] : memref<20480x128xf32, #tpu.memory_space<hbm>> -> memref<640x128xf32, #tpu.memory_space<hbm>>
      %dma_wait3A_73 = arith.constant 0 : i32
      %dma_wait3A_74 = tpu.memref_slice %arg14[%mul3A_61, %dma_wait3A_73] : memref<10240x128xf32, #tpu.memory_space<vmem_shared>> -> memref<640x128xf32, #tpu.memory_space<vmem_shared>>
      tpu.wait_dma2 semaphore(%run_scoped3A : memref<!tpu.dma_semaphore, #tpu.memory_space<semaphore_mem>>) src(%dma_wait3A_74 : memref<640x128xf32, #tpu.memory_space<vmem_shared>>) dst(%dma_wait3A_72 : memref<640x128xf32, #tpu.memory_space<hbm>>)
      tpu.yield
    }) : () -> ()
    return
  }
}

#map = affine_map<(d0, d1) -> (0, 0, 0)>
#map1 = affine_map<(d0, d1) -> (0, 0)>
module attributes {stable_mosaic.version = 14 : i64} {
  func.func @segsum(%arg0: i32, %arg1: i32, %arg2: memref<32x40x128xi32, #tpu.memory_space<hbm>>, %arg3: memref<32x40x128xi32, #tpu.memory_space<hbm>>, %arg4: memref<10000x128xf32, #tpu.memory_space<hbm>>, %arg5: memref<20480x128xf32, #tpu.memory_space<hbm>>, %arg6: memref<40x128xi32, #tpu.memory_space<vmem>>, %arg7: memref<40x128xi32, #tpu.memory_space<vmem>>, %arg8: memref<128x128xf32, #tpu.memory_space<vmem>>, %arg9: memref<128x128xf32, #tpu.memory_space<vmem>>, %arg10: memref<!tpu.dma_semaphore, #tpu.memory_space<semaphore_mem>>, %arg11: memref<!tpu.dma_semaphore, #tpu.memory_space<semaphore_mem>>, %arg12: memref<!tpu.dma_semaphore, #tpu.memory_space<semaphore_mem>>, %arg13: memref<!tpu.dma_semaphore, #tpu.memory_space<semaphore_mem>>, %arg14: memref<10240x128xf32, #tpu.memory_space<vmem_shared>>) attributes {dimension_semantics = [#tpu.dimension_semantics<core_parallel>, #tpu.dimension_semantics<subcore_parallel>], iteration_bounds = array<i64: 2, 16>, scalar_prefetch = 0 : i64, scratch_operands = 9 : i64, tpu.core_type = #tpu.core_type<sc_vector_subcore>, window_params = [{transform_indices = #map}, {transform_indices = #map}, {transform_indices = #map1}, {transform_indices = #map1}]} {
    %mul3A = arith.constant 2 : i32
    %mul3A_0 = arith.muli %arg1, %mul3A : i32
    %add3A = arith.addi %mul3A_0, %arg0 : i32
    %dma_start3A = arith.constant 0 : i32
    %dma_start3A_1 = arith.constant 0 : i32
    %dma_start3A_2 = tpu.memref_slice %arg2[%add3A, %dma_start3A, %dma_start3A_1] : memref<32x40x128xi32, #tpu.memory_space<hbm>> -> memref<1x40x128xi32, #tpu.memory_space<hbm>>
    %dma_start3A_3 = tpu.memref_squeeze %dma_start3A_2 : memref<1x40x128xi32, #tpu.memory_space<hbm>> -> memref<40x128xi32, #tpu.memory_space<hbm>>
    %dma_start3A_4 = arith.constant 0 : i32
    %dma_start3A_5 = arith.constant 0 : i32
    %dma_start3A_6 = tpu.memref_slice %arg2[%add3A, %dma_start3A_4, %dma_start3A_5] : memref<32x40x128xi32, #tpu.memory_space<hbm>> -> memref<1x40x128xi32, #tpu.memory_space<hbm>>
    %dma_start3A_7 = tpu.memref_squeeze %dma_start3A_6 : memref<1x40x128xi32, #tpu.memory_space<hbm>> -> memref<40x128xi32, #tpu.memory_space<hbm>>
    tpu.enqueue_dma source(%dma_start3A_7 : memref<40x128xi32, #tpu.memory_space<hbm>>) target(%arg6 : memref<40x128xi32, #tpu.memory_space<vmem>>) target_semaphore(%arg10 : memref<!tpu.dma_semaphore, #tpu.memory_space<semaphore_mem>>)
    %dma_start3A_8 = arith.constant 0 : i32
    %dma_start3A_9 = arith.constant 0 : i32
    %dma_start3A_10 = tpu.memref_slice %arg3[%add3A, %dma_start3A_8, %dma_start3A_9] : memref<32x40x128xi32, #tpu.memory_space<hbm>> -> memref<1x40x128xi32, #tpu.memory_space<hbm>>
    %dma_start3A_11 = tpu.memref_squeeze %dma_start3A_10 : memref<1x40x128xi32, #tpu.memory_space<hbm>> -> memref<40x128xi32, #tpu.memory_space<hbm>>
    %dma_start3A_12 = arith.constant 0 : i32
    %dma_start3A_13 = arith.constant 0 : i32
    %dma_start3A_14 = tpu.memref_slice %arg3[%add3A, %dma_start3A_12, %dma_start3A_13] : memref<32x40x128xi32, #tpu.memory_space<hbm>> -> memref<1x40x128xi32, #tpu.memory_space<hbm>>
    %dma_start3A_15 = tpu.memref_squeeze %dma_start3A_14 : memref<1x40x128xi32, #tpu.memory_space<hbm>> -> memref<40x128xi32, #tpu.memory_space<hbm>>
    tpu.enqueue_dma source(%dma_start3A_15 : memref<40x128xi32, #tpu.memory_space<hbm>>) target(%arg7 : memref<40x128xi32, #tpu.memory_space<vmem>>) target_semaphore(%arg11 : memref<!tpu.dma_semaphore, #tpu.memory_space<semaphore_mem>>)
    %scan3A = arith.constant 0 : i32
    %scan3A_16 = arith.constant 128 : i32
    %scan3A_17 = arith.addi %scan3A, %scan3A_16 : i32
    %scan3A_18 = arith.constant 1 : i32
    scf.for %scan3A_67 = %scan3A to %scan3A_17 step %scan3A_18  : i32 {
      %mul3A_68 = arith.constant 1 : i32
      %mul3A_69 = arith.muli %scan3A_67, %mul3A_68 : i32
      %add3A_70 = arith.constant 0 : i32
      %add3A_71 = arith.addi %add3A_70, %mul3A_69 : i32
      %broadcast_in_dim3A = arith.constant 0.000000e+00 : f32
      %broadcast_in_dim3A_72 = vector.broadcast %broadcast_in_dim3A : f32 to vector<1x16xf32>
      %swap3A = arith.index_cast %add3A_71 : i32 to index
      %swap3A_73 = arith.constant 0 : index
      %swap3A_74 = tpu.vector_load %arg8[%swap3A, %swap3A_73] {strides = array<i32>} : memref<128x128xf32, #tpu.memory_space<vmem>>, vector<1x16xf32>,
      %swap3A_75 = vector.shape_cast %swap3A_74 : vector<1x16xf32> to vector<1x16xf32>
      %swap3A_76 = vector.shape_cast %broadcast_in_dim3A_72 : vector<1x16xf32> to vector<1x16xf32>
      tpu.vector_store %arg8[%swap3A, %swap3A_73], %swap3A_76 {strides = array<i32>} : memref<128x128xf32, #tpu.memory_space<vmem>>, vector<1x16xf32>,
      %broadcast_in_dim3A_77 = arith.constant 0.000000e+00 : f32
      %broadcast_in_dim3A_78 = vector.broadcast %broadcast_in_dim3A_77 : f32 to vector<1x16xf32>
      %swap3A_79 = arith.index_cast %add3A_71 : i32 to index
      %swap3A_80 = arith.constant 16 : index
      %swap3A_81 = tpu.vector_load %arg8[%swap3A_79, %swap3A_80] {strides = array<i32>} : memref<128x128xf32, #tpu.memory_space<vmem>>, vector<1x16xf32>,
      %swap3A_82 = vector.shape_cast %swap3A_81 : vector<1x16xf32> to vector<1x16xf32>
      %swap3A_83 = vector.shape_cast %broadcast_in_dim3A_78 : vector<1x16xf32> to vector<1x16xf32>
      tpu.vector_store %arg8[%swap3A_79, %swap3A_80], %swap3A_83 {strides = array<i32>} : memref<128x128xf32, #tpu.memory_space<vmem>>, vector<1x16xf32>,
      %broadcast_in_dim3A_84 = arith.constant 0.000000e+00 : f32
      %broadcast_in_dim3A_85 = vector.broadcast %broadcast_in_dim3A_84 : f32 to vector<1x16xf32>
      %swap3A_86 = arith.index_cast %add3A_71 : i32 to index
      %swap3A_87 = arith.constant 32 : index
      %swap3A_88 = tpu.vector_load %arg8[%swap3A_86, %swap3A_87] {strides = array<i32>} : memref<128x128xf32, #tpu.memory_space<vmem>>, vector<1x16xf32>,
      %swap3A_89 = vector.shape_cast %swap3A_88 : vector<1x16xf32> to vector<1x16xf32>
      %swap3A_90 = vector.shape_cast %broadcast_in_dim3A_85 : vector<1x16xf32> to vector<1x16xf32>
      tpu.vector_store %arg8[%swap3A_86, %swap3A_87], %swap3A_90 {strides = array<i32>} : memref<128x128xf32, #tpu.memory_space<vmem>>, vector<1x16xf32>,
      %broadcast_in_dim3A_91 = arith.constant 0.000000e+00 : f32
      %broadcast_in_dim3A_92 = vector.broadcast %broadcast_in_dim3A_91 : f32 to vector<1x16xf32>
      %swap3A_93 = arith.index_cast %add3A_71 : i32 to index
      %swap3A_94 = arith.constant 48 : index
      %swap3A_95 = tpu.vector_load %arg8[%swap3A_93, %swap3A_94] {strides = array<i32>} : memref<128x128xf32, #tpu.memory_space<vmem>>, vector<1x16xf32>,
      %swap3A_96 = vector.shape_cast %swap3A_95 : vector<1x16xf32> to vector<1x16xf32>
      %swap3A_97 = vector.shape_cast %broadcast_in_dim3A_92 : vector<1x16xf32> to vector<1x16xf32>
      tpu.vector_store %arg8[%swap3A_93, %swap3A_94], %swap3A_97 {strides = array<i32>} : memref<128x128xf32, #tpu.memory_space<vmem>>, vector<1x16xf32>,
      %broadcast_in_dim3A_98 = arith.constant 0.000000e+00 : f32
      %broadcast_in_dim3A_99 = vector.broadcast %broadcast_in_dim3A_98 : f32 to vector<1x16xf32>
      %swap3A_100 = arith.index_cast %add3A_71 : i32 to index
      %swap3A_101 = arith.constant 64 : index
      %swap3A_102 = tpu.vector_load %arg8[%swap3A_100, %swap3A_101] {strides = array<i32>} : memref<128x128xf32, #tpu.memory_space<vmem>>, vector<1x16xf32>,
      %swap3A_103 = vector.shape_cast %swap3A_102 : vector<1x16xf32> to vector<1x16xf32>
      %swap3A_104 = vector.shape_cast %broadcast_in_dim3A_99 : vector<1x16xf32> to vector<1x16xf32>
      tpu.vector_store %arg8[%swap3A_100, %swap3A_101], %swap3A_104 {strides = array<i32>} : memref<128x128xf32, #tpu.memory_space<vmem>>, vector<1x16xf32>,
      %broadcast_in_dim3A_105 = arith.constant 0.000000e+00 : f32
      %broadcast_in_dim3A_106 = vector.broadcast %broadcast_in_dim3A_105 : f32 to vector<1x16xf32>
      %swap3A_107 = arith.index_cast %add3A_71 : i32 to index
      %swap3A_108 = arith.constant 80 : index
      %swap3A_109 = tpu.vector_load %arg8[%swap3A_107, %swap3A_108] {strides = array<i32>} : memref<128x128xf32, #tpu.memory_space<vmem>>, vector<1x16xf32>,
      %swap3A_110 = vector.shape_cast %swap3A_109 : vector<1x16xf32> to vector<1x16xf32>
      %swap3A_111 = vector.shape_cast %broadcast_in_dim3A_106 : vector<1x16xf32> to vector<1x16xf32>
      tpu.vector_store %arg8[%swap3A_107, %swap3A_108], %swap3A_111 {strides = array<i32>} : memref<128x128xf32, #tpu.memory_space<vmem>>, vector<1x16xf32>,
      %broadcast_in_dim3A_112 = arith.constant 0.000000e+00 : f32
      %broadcast_in_dim3A_113 = vector.broadcast %broadcast_in_dim3A_112 : f32 to vector<1x16xf32>
      %swap3A_114 = arith.index_cast %add3A_71 : i32 to index
      %swap3A_115 = arith.constant 96 : index
      %swap3A_116 = tpu.vector_load %arg8[%swap3A_114, %swap3A_115] {strides = array<i32>} : memref<128x128xf32, #tpu.memory_space<vmem>>, vector<1x16xf32>,
      %swap3A_117 = vector.shape_cast %swap3A_116 : vector<1x16xf32> to vector<1x16xf32>
      %swap3A_118 = vector.shape_cast %broadcast_in_dim3A_113 : vector<1x16xf32> to vector<1x16xf32>
      tpu.vector_store %arg8[%swap3A_114, %swap3A_115], %swap3A_118 {strides = array<i32>} : memref<128x128xf32, #tpu.memory_space<vmem>>, vector<1x16xf32>,
      %broadcast_in_dim3A_119 = arith.constant 0.000000e+00 : f32
      %broadcast_in_dim3A_120 = vector.broadcast %broadcast_in_dim3A_119 : f32 to vector<1x16xf32>
      %swap3A_121 = arith.index_cast %add3A_71 : i32 to index
      %swap3A_122 = arith.constant 112 : index
      %swap3A_123 = tpu.vector_load %arg8[%swap3A_121, %swap3A_122] {strides = array<i32>} : memref<128x128xf32, #tpu.memory_space<vmem>>, vector<1x16xf32>,
      %swap3A_124 = vector.shape_cast %swap3A_123 : vector<1x16xf32> to vector<1x16xf32>
      %swap3A_125 = vector.shape_cast %broadcast_in_dim3A_120 : vector<1x16xf32> to vector<1x16xf32>
      tpu.vector_store %arg8[%swap3A_121, %swap3A_122], %swap3A_125 {strides = array<i32>} : memref<128x128xf32, #tpu.memory_space<vmem>>, vector<1x16xf32>,
    }
    %scan3A_19 = arith.constant 128 : i32
    %scan3A_20 = arith.constant 0 : i32
    %scan3A_21 = arith.constant 5 : i32
    %scan3A_22 = arith.addi %scan3A_20, %scan3A_21 : i32
    %scan3A_23 = arith.constant 1 : i32
    scf.for %scan3A_67 = %scan3A_20 to %scan3A_22 step %scan3A_23  : i32 {
      %mul3A_68 = arith.constant 1 : i32
      %mul3A_69 = arith.muli %scan3A_67, %mul3A_68 : i32
      %add3A_70 = arith.constant 0 : i32
      %add3A_71 = arith.addi %add3A_70, %mul3A_69 : i32
      %mul3A_72 = arith.constant 640 : i32
      %mul3A_73 = arith.muli %arg1, %mul3A_72 : i32
      %mul3A_74 = arith.constant 128 : i32
      %mul3A_75 = arith.muli %add3A_71, %mul3A_74 : i32
      %add3A_76 = arith.addi %mul3A_73, %mul3A_75 : i32
      "tpu.region"() ({
        %run_scoped3A = tpu.sem_alloc : memref<!tpu.dma_semaphore, #tpu.memory_space<semaphore_mem>>
        %dma_start3A_77 = arith.constant 0 : i32
        %dma_start3A_78 = tpu.memref_slice %arg14[%add3A_76, %dma_start3A_77] : memref<10240x128xf32, #tpu.memory_space<vmem_shared>> -> memref<128x128xf32, #tpu.memory_space<vmem_shared>>
        %dma_start3A_79 = arith.constant 0 : i32
        %dma_start3A_80 = tpu.memref_slice %arg14[%add3A_76, %dma_start3A_79] : memref<10240x128xf32, #tpu.memory_space<vmem_shared>> -> memref<128x128xf32, #tpu.memory_space<vmem_shared>>
        tpu.enqueue_dma source(%arg8 : memref<128x128xf32, #tpu.memory_space<vmem>>) target(%dma_start3A_80 : memref<128x128xf32, #tpu.memory_space<vmem_shared>>) target_semaphore(%run_scoped3A : memref<!tpu.dma_semaphore, #tpu.memory_space<semaphore_mem>>)
        %dma_wait3A_81 = arith.constant 0 : i32
        %dma_wait3A_82 = tpu.memref_slice %arg14[%add3A_76, %dma_wait3A_81] : memref<10240x128xf32, #tpu.memory_space<vmem_shared>> -> memref<128x128xf32, #tpu.memory_space<vmem_shared>>
        %dma_wait3A_83 = arith.constant 0 : i32
        %dma_wait3A_84 = tpu.memref_slice %arg14[%add3A_76, %dma_wait3A_83] : memref<10240x128xf32, #tpu.memory_space<vmem_shared>> -> memref<128x128xf32, #tpu.memory_space<vmem_shared>>
        tpu.wait_dma2 semaphore(%run_scoped3A : memref<!tpu.dma_semaphore, #tpu.memory_space<semaphore_mem>>) src(%arg8 : memref<128x128xf32, #tpu.memory_space<vmem>>) dst(%dma_wait3A_84 : memref<128x128xf32, #tpu.memory_space<vmem_shared>>)
        tpu.yield
      }) : () -> ()
    }
    %scan3A_24 = arith.constant 5 : i32
    %dma_wait3A = arith.constant 0 : i32
    %dma_wait3A_25 = arith.constant 0 : i32
    %dma_wait3A_26 = tpu.memref_slice %arg2[%add3A, %dma_wait3A, %dma_wait3A_25] : memref<32x40x128xi32, #tpu.memory_space<hbm>> -> memref<1x40x128xi32, #tpu.memory_space<hbm>>
    %dma_wait3A_27 = tpu.memref_squeeze %dma_wait3A_26 : memref<1x40x128xi32, #tpu.memory_space<hbm>> -> memref<40x128xi32, #tpu.memory_space<hbm>>
    %dma_wait3A_28 = arith.constant 0 : i32
    %dma_wait3A_29 = arith.constant 0 : i32
    %dma_wait3A_30 = tpu.memref_slice %arg2[%add3A, %dma_wait3A_28, %dma_wait3A_29] : memref<32x40x128xi32, #tpu.memory_space<hbm>> -> memref<1x40x128xi32, #tpu.memory_space<hbm>>
    %dma_wait3A_31 = tpu.memref_squeeze %dma_wait3A_30 : memref<1x40x128xi32, #tpu.memory_space<hbm>> -> memref<40x128xi32, #tpu.memory_space<hbm>>
    tpu.wait_dma2 semaphore(%arg10 : memref<!tpu.dma_semaphore, #tpu.memory_space<semaphore_mem>>) src(%dma_wait3A_31 : memref<40x128xi32, #tpu.memory_space<hbm>>) dst(%arg6 : memref<40x128xi32, #tpu.memory_space<vmem>>)
    %dma_wait3A_32 = arith.constant 0 : i32
    %dma_wait3A_33 = arith.constant 0 : i32
    %dma_wait3A_34 = tpu.memref_slice %arg3[%add3A, %dma_wait3A_32, %dma_wait3A_33] : memref<32x40x128xi32, #tpu.memory_space<hbm>> -> memref<1x40x128xi32, #tpu.memory_space<hbm>>
    %dma_wait3A_35 = tpu.memref_squeeze %dma_wait3A_34 : memref<1x40x128xi32, #tpu.memory_space<hbm>> -> memref<40x128xi32, #tpu.memory_space<hbm>>
    %dma_wait3A_36 = arith.constant 0 : i32
    %dma_wait3A_37 = arith.constant 0 : i32
    %dma_wait3A_38 = tpu.memref_slice %arg3[%add3A, %dma_wait3A_36, %dma_wait3A_37] : memref<32x40x128xi32, #tpu.memory_space<hbm>> -> memref<1x40x128xi32, #tpu.memory_space<hbm>>
    %dma_wait3A_39 = tpu.memref_squeeze %dma_wait3A_38 : memref<1x40x128xi32, #tpu.memory_space<hbm>> -> memref<40x128xi32, #tpu.memory_space<hbm>>
    tpu.wait_dma2 semaphore(%arg11 : memref<!tpu.dma_semaphore, #tpu.memory_space<semaphore_mem>>) src(%dma_wait3A_39 : memref<40x128xi32, #tpu.memory_space<hbm>>) dst(%arg7 : memref<40x128xi32, #tpu.memory_space<vmem>>)
    %barrier3A = arith.constant 0 : index
    tpu.barrier barrier_id(%barrier3A)
    %dma_start3A_40 = arith.constant 0 : i32
    %dma_start3A_41 = arith.constant 0 : i32
    %dma_start3A_42 = tpu.memref_slice %arg6[%dma_start3A_40, %dma_start3A_41] : memref<40x128xi32, #tpu.memory_space<vmem>> -> memref<1x128xi32, #tpu.memory_space<vmem>>
    %dma_start3A_43 = tpu.memref_squeeze %dma_start3A_42 : memref<1x128xi32, #tpu.memory_space<vmem>> -> memref<128xi32, #tpu.memory_space<vmem>>
    %dma_start3A_44 = arith.constant 0 : i32
    %dma_start3A_45 = arith.constant 0 : i32
    %dma_start3A_46 = tpu.memref_slice %arg4[%dma_start3A_44, %dma_start3A_45] : memref<10000x128xf32, #tpu.memory_space<hbm>> -> memref<10000x128xf32, #tpu.memory_space<hbm>>
    tpu.enqueue_indirect_dma source(%dma_start3A_46 : memref<10000x128xf32, #tpu.memory_space<hbm>>) target(%arg8 : memref<128x128xf32, #tpu.memory_space<vmem>>) offsets(%dma_start3A_43 : memref<128xi32, #tpu.memory_space<vmem>>) semaphore(%arg10 : memref<!tpu.dma_semaphore, #tpu.memory_space<semaphore_mem>>)
    %dma_start3A_47 = arith.constant 1 : i32
    %dma_start3A_48 = arith.constant 0 : i32
    %dma_start3A_49 = tpu.memref_slice %arg6[%dma_start3A_47, %dma_start3A_48] : memref<40x128xi32, #tpu.memory_space<vmem>> -> memref<1x128xi32, #tpu.memory_space<vmem>>
    %dma_start3A_50 = tpu.memref_squeeze %dma_start3A_49 : memref<1x128xi32, #tpu.memory_space<vmem>> -> memref<128xi32, #tpu.memory_space<vmem>>
    %dma_start3A_51 = arith.constant 0 : i32
    %dma_start3A_52 = arith.constant 0 : i32
    %dma_start3A_53 = tpu.memref_slice %arg4[%dma_start3A_51, %dma_start3A_52] : memref<10000x128xf32, #tpu.memory_space<hbm>> -> memref<10000x128xf32, #tpu.memory_space<hbm>>
    tpu.enqueue_indirect_dma source(%dma_start3A_53 : memref<10000x128xf32, #tpu.memory_space<hbm>>) target(%arg9 : memref<128x128xf32, #tpu.memory_space<vmem>>) offsets(%dma_start3A_50 : memref<128xi32, #tpu.memory_space<vmem>>) semaphore(%arg11 : memref<!tpu.dma_semaphore, #tpu.memory_space<semaphore_mem>>)
    %scan3A_54 = arith.constant 0 : i32
    %scan3A_55 = arith.constant 20 : i32
    %scan3A_56 = arith.addi %scan3A_54, %scan3A_55 : i32
    %scan3A_57 = arith.constant 1 : i32
    scf.for %scan3A_67 = %scan3A_54 to %scan3A_56 step %scan3A_57  : i32 {
      %mul3A_68 = arith.constant 2 : i32
      %mul3A_69 = arith.muli %scan3A_67, %mul3A_68 : i32
      %add3A_70 = arith.constant 0 : i32
      %add3A_71 = arith.addi %add3A_70, %mul3A_69 : i32
      %add3A_72 = arith.constant 0 : i32
      %add3A_73 = arith.addi %add3A_71, %add3A_72 : i32
      %dma_wait3A_74 = arith.constant 0 : i32
      %dma_wait3A_75 = tpu.memref_slice %arg6[%add3A_73, %dma_wait3A_74] : memref<40x128xi32, #tpu.memory_space<vmem>> -> memref<1x128xi32, #tpu.memory_space<vmem>>
      %dma_wait3A_76 = tpu.memref_squeeze %dma_wait3A_75 : memref<1x128xi32, #tpu.memory_space<vmem>> -> memref<128xi32, #tpu.memory_space<vmem>>
      %dma_wait3A_77 = arith.constant 0 : i32
      %dma_wait3A_78 = arith.constant 0 : i32
      %dma_wait3A_79 = tpu.memref_slice %arg4[%dma_wait3A_77, %dma_wait3A_78] : memref<10000x128xf32, #tpu.memory_space<hbm>> -> memref<10000x128xf32, #tpu.memory_space<hbm>>
      tpu.wait_indirect_dma semaphore(%arg10 : memref<!tpu.dma_semaphore, #tpu.memory_space<semaphore_mem>>) src(%dma_wait3A_79 : memref<10000x128xf32, #tpu.memory_space<hbm>>) dst(%arg8 : memref<128x128xf32, #tpu.memory_space<vmem>>)
      %dma_start3A_80 = arith.constant 0 : i32
      %dma_start3A_81 = tpu.memref_slice %arg7[%add3A_73, %dma_start3A_80] : memref<40x128xi32, #tpu.memory_space<vmem>> -> memref<1x128xi32, #tpu.memory_space<vmem>>
      %dma_start3A_82 = tpu.memref_squeeze %dma_start3A_81 : memref<1x128xi32, #tpu.memory_space<vmem>> -> memref<128xi32, #tpu.memory_space<vmem>>
      %dma_start3A_83 = arith.constant 0 : i32
      %dma_start3A_84 = arith.constant 0 : i32
      %dma_start3A_85 = tpu.memref_slice %arg14[%dma_start3A_83, %dma_start3A_84] : memref<10240x128xf32, #tpu.memory_space<vmem_shared>> -> memref<10240x128xf32, #tpu.memory_space<vmem_shared>>
      tpu.enqueue_indirect_dma source(%arg8 : memref<128x128xf32, #tpu.memory_space<vmem>>) target(%dma_start3A_85 : memref<10240x128xf32, #tpu.memory_space<vmem_shared>>) offsets(%dma_start3A_82 : memref<128xi32, #tpu.memory_space<vmem>>) semaphore(%arg12 : memref<!tpu.dma_semaphore, #tpu.memory_space<semaphore_mem>>) {add = true}
      %add3A_86 = arith.constant 1 : i32
      %add3A_87 = arith.addi %add3A_71, %add3A_86 : i32
      %dma_wait3A_88 = arith.constant 0 : i32
      %dma_wait3A_89 = tpu.memref_slice %arg6[%add3A_87, %dma_wait3A_88] : memref<40x128xi32, #tpu.memory_space<vmem>> -> memref<1x128xi32, #tpu.memory_space<vmem>>
      %dma_wait3A_90 = tpu.memref_squeeze %dma_wait3A_89 : memref<1x128xi32, #tpu.memory_space<vmem>> -> memref<128xi32, #tpu.memory_space<vmem>>
      %dma_wait3A_91 = arith.constant 0 : i32
      %dma_wait3A_92 = arith.constant 0 : i32
      %dma_wait3A_93 = tpu.memref_slice %arg4[%dma_wait3A_91, %dma_wait3A_92] : memref<10000x128xf32, #tpu.memory_space<hbm>> -> memref<10000x128xf32, #tpu.memory_space<hbm>>
      tpu.wait_indirect_dma semaphore(%arg11 : memref<!tpu.dma_semaphore, #tpu.memory_space<semaphore_mem>>) src(%dma_wait3A_93 : memref<10000x128xf32, #tpu.memory_space<hbm>>) dst(%arg9 : memref<128x128xf32, #tpu.memory_space<vmem>>)
      %dma_start3A_94 = arith.constant 0 : i32
      %dma_start3A_95 = tpu.memref_slice %arg7[%add3A_87, %dma_start3A_94] : memref<40x128xi32, #tpu.memory_space<vmem>> -> memref<1x128xi32, #tpu.memory_space<vmem>>
      %dma_start3A_96 = tpu.memref_squeeze %dma_start3A_95 : memref<1x128xi32, #tpu.memory_space<vmem>> -> memref<128xi32, #tpu.memory_space<vmem>>
      %dma_start3A_97 = arith.constant 0 : i32
      %dma_start3A_98 = arith.constant 0 : i32
      %dma_start3A_99 = tpu.memref_slice %arg14[%dma_start3A_97, %dma_start3A_98] : memref<10240x128xf32, #tpu.memory_space<vmem_shared>> -> memref<10240x128xf32, #tpu.memory_space<vmem_shared>>
      tpu.enqueue_indirect_dma source(%arg9 : memref<128x128xf32, #tpu.memory_space<vmem>>) target(%dma_start3A_99 : memref<10240x128xf32, #tpu.memory_space<vmem_shared>>) offsets(%dma_start3A_96 : memref<128xi32, #tpu.memory_space<vmem>>) semaphore(%arg13 : memref<!tpu.dma_semaphore, #tpu.memory_space<semaphore_mem>>) {add = true}
      %add3A_100 = arith.constant 0 : i32
      %add3A_101 = arith.addi %add3A_71, %add3A_100 : i32
      %dma_wait3A_102 = arith.constant 0 : i32
      %dma_wait3A_103 = tpu.memref_slice %arg7[%add3A_101, %dma_wait3A_102] : memref<40x128xi32, #tpu.memory_space<vmem>> -> memref<1x128xi32, #tpu.memory_space<vmem>>
      %dma_wait3A_104 = tpu.memref_squeeze %dma_wait3A_103 : memref<1x128xi32, #tpu.memory_space<vmem>> -> memref<128xi32, #tpu.memory_space<vmem>>
      %dma_wait3A_105 = arith.constant 0 : i32
      %dma_wait3A_106 = arith.constant 0 : i32
      %dma_wait3A_107 = tpu.memref_slice %arg14[%dma_wait3A_105, %dma_wait3A_106] : memref<10240x128xf32, #tpu.memory_space<vmem_shared>> -> memref<10240x128xf32, #tpu.memory_space<vmem_shared>>
      tpu.wait_indirect_dma semaphore(%arg12 : memref<!tpu.dma_semaphore, #tpu.memory_space<semaphore_mem>>) src(%arg8 : memref<128x128xf32, #tpu.memory_space<vmem>>) dst(%dma_wait3A_107 : memref<10240x128xf32, #tpu.memory_space<vmem_shared>>)
      %add3A_108 = arith.constant 2 : i32
      %add3A_109 = arith.addi %add3A_101, %add3A_108 : i32
      %lt3A = arith.constant 40 : i32
      %lt3A_110 = arith.cmpi slt, %add3A_109, %lt3A : i32
      %convert_element_type3A = arith.extui %lt3A_110 : i1 to i32
      %cond3A = arith.constant 0 : i32
      %cond3A_111 = arith.cmpi ne, %convert_element_type3A, %cond3A : i32
      scf.if %cond3A_111 {
        %add3A_127 = arith.constant 2 : i32
        %add3A_128 = arith.addi %add3A_101, %add3A_127 : i32
        %dma_start3A_129 = arith.constant 0 : i32
        %dma_start3A_130 = tpu.memref_slice %arg6[%add3A_128, %dma_start3A_129] : memref<40x128xi32, #tpu.memory_space<vmem>> -> memref<1x128xi32, #tpu.memory_space<vmem>>
        %dma_start3A_131 = tpu.memref_squeeze %dma_start3A_130 : memref<1x128xi32, #tpu.memory_space<vmem>> -> memref<128xi32, #tpu.memory_space<vmem>>
        %dma_start3A_132 = arith.constant 0 : i32
        %dma_start3A_133 = arith.constant 0 : i32
        %dma_start3A_134 = tpu.memref_slice %arg4[%dma_start3A_132, %dma_start3A_133] : memref<10000x128xf32, #tpu.memory_space<hbm>> -> memref<10000x128xf32, #tpu.memory_space<hbm>>
        tpu.enqueue_indirect_dma source(%dma_start3A_134 : memref<10000x128xf32, #tpu.memory_space<hbm>>) target(%arg8 : memref<128x128xf32, #tpu.memory_space<vmem>>) offsets(%dma_start3A_131 : memref<128xi32, #tpu.memory_space<vmem>>) semaphore(%arg10 : memref<!tpu.dma_semaphore, #tpu.memory_space<semaphore_mem>>)
      } else {
      }
      %add3A_112 = arith.constant 1 : i32
      %add3A_113 = arith.addi %add3A_71, %add3A_112 : i32
      %dma_wait3A_114 = arith.constant 0 : i32
      %dma_wait3A_115 = tpu.memref_slice %arg7[%add3A_113, %dma_wait3A_114] : memref<40x128xi32, #tpu.memory_space<vmem>> -> memref<1x128xi32, #tpu.memory_space<vmem>>
      %dma_wait3A_116 = tpu.memref_squeeze %dma_wait3A_115 : memref<1x128xi32, #tpu.memory_space<vmem>> -> memref<128xi32, #tpu.memory_space<vmem>>
      %dma_wait3A_117 = arith.constant 0 : i32
      %dma_wait3A_118 = arith.constant 0 : i32
      %dma_wait3A_119 = tpu.memref_slice %arg14[%dma_wait3A_117, %dma_wait3A_118] : memref<10240x128xf32, #tpu.memory_space<vmem_shared>> -> memref<10240x128xf32, #tpu.memory_space<vmem_shared>>
      tpu.wait_indirect_dma semaphore(%arg13 : memref<!tpu.dma_semaphore, #tpu.memory_space<semaphore_mem>>) src(%arg9 : memref<128x128xf32, #tpu.memory_space<vmem>>) dst(%dma_wait3A_119 : memref<10240x128xf32, #tpu.memory_space<vmem_shared>>)
      %add3A_120 = arith.constant 2 : i32
      %add3A_121 = arith.addi %add3A_113, %add3A_120 : i32
      %lt3A_122 = arith.constant 40 : i32
      %lt3A_123 = arith.cmpi slt, %add3A_121, %lt3A_122 : i32
      %convert_element_type3A_124 = arith.extui %lt3A_123 : i1 to i32
      %cond3A_125 = arith.constant 0 : i32
      %cond3A_126 = arith.cmpi ne, %convert_element_type3A_124, %cond3A_125 : i32
      scf.if %cond3A_126 {
        %add3A_127 = arith.constant 2 : i32
        %add3A_128 = arith.addi %add3A_113, %add3A_127 : i32
        %dma_start3A_129 = arith.constant 0 : i32
        %dma_start3A_130 = tpu.memref_slice %arg6[%add3A_128, %dma_start3A_129] : memref<40x128xi32, #tpu.memory_space<vmem>> -> memref<1x128xi32, #tpu.memory_space<vmem>>
        %dma_start3A_131 = tpu.memref_squeeze %dma_start3A_130 : memref<1x128xi32, #tpu.memory_space<vmem>> -> memref<128xi32, #tpu.memory_space<vmem>>
        %dma_start3A_132 = arith.constant 0 : i32
        %dma_start3A_133 = arith.constant 0 : i32
        %dma_start3A_134 = tpu.memref_slice %arg4[%dma_start3A_132, %dma_start3A_133] : memref<10000x128xf32, #tpu.memory_space<hbm>> -> memref<10000x128xf32, #tpu.memory_space<hbm>>
        tpu.enqueue_indirect_dma source(%dma_start3A_134 : memref<10000x128xf32, #tpu.memory_space<hbm>>) target(%arg9 : memref<128x128xf32, #tpu.memory_space<vmem>>) offsets(%dma_start3A_131 : memref<128xi32, #tpu.memory_space<vmem>>) semaphore(%arg11 : memref<!tpu.dma_semaphore, #tpu.memory_space<semaphore_mem>>)
      } else {
      }
    }
    %scan3A_58 = arith.constant 20 : i32
    %barrier3A_59 = arith.constant 0 : index
    tpu.barrier barrier_id(%barrier3A_59)
    %mul3A_60 = arith.constant 640 : i32
    %mul3A_61 = arith.muli %arg1, %mul3A_60 : i32
    %mul3A_62 = arith.constant 10240 : i32
    %mul3A_63 = arith.muli %arg0, %mul3A_62 : i32
    %mul3A_64 = arith.constant 640 : i32
    %mul3A_65 = arith.muli %arg1, %mul3A_64 : i32
    %add3A_66 = arith.addi %mul3A_63, %mul3A_65 : i32
    "tpu.region"() ({
      %run_scoped3A = tpu.sem_alloc : memref<!tpu.dma_semaphore, #tpu.memory_space<semaphore_mem>>
      %dma_start3A_67 = arith.constant 0 : i32
      %dma_start3A_68 = tpu.memref_slice %arg5[%add3A_66, %dma_start3A_67] : memref<20480x128xf32, #tpu.memory_space<hbm>> -> memref<640x128xf32, #tpu.memory_space<hbm>>
      %dma_start3A_69 = arith.constant 0 : i32
      %dma_start3A_70 = tpu.memref_slice %arg14[%mul3A_61, %dma_start3A_69] : memref<10240x128xf32, #tpu.memory_space<vmem_shared>> -> memref<640x128xf32, #tpu.memory_space<vmem_shared>>
      tpu.enqueue_dma source(%dma_start3A_70 : memref<640x128xf32, #tpu.memory_space<vmem_shared>>) target(%dma_start3A_68 : memref<640x128xf32, #tpu.memory_space<hbm>>) target_semaphore(%run_scoped3A : memref<!tpu.dma_semaphore, #tpu.memory_space<semaphore_mem>>)
      %dma_wait3A_71 = arith.constant 0 : i32
      %dma_wait3A_72 = tpu.memref_slice %arg5[%add3A_66, %dma_wait3A_71] : memref<20480x128xf32, #tpu.memory_space<hbm>> -> memref<640x128xf32, #tpu.memory_space<hbm>>
      %dma_wait3A_73 = arith.constant 0 : i32
      %dma_wait3A_74 = tpu.memref_slice %arg14[%mul3A_61, %dma_wait3A_73] : memref<10240x128xf32, #tpu.memory_space<vmem_shared>> -> memref<640x128xf32, #tpu.memory_space<vmem_shared>>
      tpu.wait_dma2 semaphore(%run_scoped3A : memref<!tpu.dma_semaphore, #tpu.memory_space<semaphore_mem>>) src(%dma_wait3A_74 : memref<640x128xf32, #tpu.memory_space<vmem_shared>>) dst(%dma_wait3A_72 : memref<640x128xf32, #tpu.memory_space<hbm>>)
      tpu.yield
    }) : () -> ()
    return
  }
}

#map = affine_map<(d0, d1) -> (0, 0, 0)>
#map1 = affine_map<(d0, d1) -> (0, 0)>
module attributes {stable_mosaic.version = 14 : i64} {
  func.func @segsum(%arg0: i32, %arg1: i32, %arg2: memref<32x40x128xi32, #tpu.memory_space<hbm>>, %arg3: memref<32x40x128xi32, #tpu.memory_space<hbm>>, %arg4: memref<10000x128xf32, #tpu.memory_space<hbm>>, %arg5: memref<20480x128xf32, #tpu.memory_space<hbm>>, %arg6: memref<40x128xi32, #tpu.memory_space<vmem>>, %arg7: memref<40x128xi32, #tpu.memory_space<vmem>>, %arg8: memref<128x128xf32, #tpu.memory_space<vmem>>, %arg9: memref<128x128xf32, #tpu.memory_space<vmem>>, %arg10: memref<!tpu.dma_semaphore, #tpu.memory_space<semaphore_mem>>, %arg11: memref<!tpu.dma_semaphore, #tpu.memory_space<semaphore_mem>>, %arg12: memref<!tpu.dma_semaphore, #tpu.memory_space<semaphore_mem>>, %arg13: memref<!tpu.dma_semaphore, #tpu.memory_space<semaphore_mem>>, %arg14: memref<10240x128xf32, #tpu.memory_space<vmem_shared>>) attributes {dimension_semantics = [#tpu.dimension_semantics<core_parallel>, #tpu.dimension_semantics<subcore_parallel>], iteration_bounds = array<i64: 2, 16>, scalar_prefetch = 0 : i64, scratch_operands = 9 : i64, tpu.core_type = #tpu.core_type<sc_vector_subcore>, window_params = [{transform_indices = #map}, {transform_indices = #map}, {transform_indices = #map1}, {transform_indices = #map1}]} {
    %mul3A = arith.constant 2 : i32
    %mul3A_0 = arith.muli %arg1, %mul3A : i32
    %add3A = arith.addi %mul3A_0, %arg0 : i32
    %dma_start3A = arith.constant 0 : i32
    %dma_start3A_1 = arith.constant 0 : i32
    %dma_start3A_2 = tpu.memref_slice %arg2[%add3A, %dma_start3A, %dma_start3A_1] : memref<32x40x128xi32, #tpu.memory_space<hbm>> -> memref<1x40x128xi32, #tpu.memory_space<hbm>>
    %dma_start3A_3 = tpu.memref_squeeze %dma_start3A_2 : memref<1x40x128xi32, #tpu.memory_space<hbm>> -> memref<40x128xi32, #tpu.memory_space<hbm>>
    %dma_start3A_4 = arith.constant 0 : i32
    %dma_start3A_5 = arith.constant 0 : i32
    %dma_start3A_6 = tpu.memref_slice %arg2[%add3A, %dma_start3A_4, %dma_start3A_5] : memref<32x40x128xi32, #tpu.memory_space<hbm>> -> memref<1x40x128xi32, #tpu.memory_space<hbm>>
    %dma_start3A_7 = tpu.memref_squeeze %dma_start3A_6 : memref<1x40x128xi32, #tpu.memory_space<hbm>> -> memref<40x128xi32, #tpu.memory_space<hbm>>
    tpu.enqueue_dma source(%dma_start3A_7 : memref<40x128xi32, #tpu.memory_space<hbm>>) target(%arg6 : memref<40x128xi32, #tpu.memory_space<vmem>>) target_semaphore(%arg10 : memref<!tpu.dma_semaphore, #tpu.memory_space<semaphore_mem>>)
    %dma_start3A_8 = arith.constant 0 : i32
    %dma_start3A_9 = arith.constant 0 : i32
    %dma_start3A_10 = tpu.memref_slice %arg3[%add3A, %dma_start3A_8, %dma_start3A_9] : memref<32x40x128xi32, #tpu.memory_space<hbm>> -> memref<1x40x128xi32, #tpu.memory_space<hbm>>
    %dma_start3A_11 = tpu.memref_squeeze %dma_start3A_10 : memref<1x40x128xi32, #tpu.memory_space<hbm>> -> memref<40x128xi32, #tpu.memory_space<hbm>>
    %dma_start3A_12 = arith.constant 0 : i32
    %dma_start3A_13 = arith.constant 0 : i32
    %dma_start3A_14 = tpu.memref_slice %arg3[%add3A, %dma_start3A_12, %dma_start3A_13] : memref<32x40x128xi32, #tpu.memory_space<hbm>> -> memref<1x40x128xi32, #tpu.memory_space<hbm>>
    %dma_start3A_15 = tpu.memref_squeeze %dma_start3A_14 : memref<1x40x128xi32, #tpu.memory_space<hbm>> -> memref<40x128xi32, #tpu.memory_space<hbm>>
    tpu.enqueue_dma source(%dma_start3A_15 : memref<40x128xi32, #tpu.memory_space<hbm>>) target(%arg7 : memref<40x128xi32, #tpu.memory_space<vmem>>) target_semaphore(%arg11 : memref<!tpu.dma_semaphore, #tpu.memory_space<semaphore_mem>>)
    %scan3A = arith.constant 0 : i32
    %scan3A_16 = arith.constant 128 : i32
    %scan3A_17 = arith.addi %scan3A, %scan3A_16 : i32
    %scan3A_18 = arith.constant 1 : i32
    scf.for %scan3A_67 = %scan3A to %scan3A_17 step %scan3A_18  : i32 {
      %mul3A_68 = arith.constant 1 : i32
      %mul3A_69 = arith.muli %scan3A_67, %mul3A_68 : i32
      %add3A_70 = arith.constant 0 : i32
      %add3A_71 = arith.addi %add3A_70, %mul3A_69 : i32
      %broadcast_in_dim3A = arith.constant 0.000000e+00 : f32
      %broadcast_in_dim3A_72 = vector.broadcast %broadcast_in_dim3A : f32 to vector<1x16xf32>
      %swap3A = arith.index_cast %add3A_71 : i32 to index
      %swap3A_73 = arith.constant 0 : index
      %swap3A_74 = tpu.vector_load %arg8[%swap3A, %swap3A_73] {strides = array<i32>} : memref<128x128xf32, #tpu.memory_space<vmem>>, vector<1x16xf32>,
      %swap3A_75 = vector.shape_cast %swap3A_74 : vector<1x16xf32> to vector<1x16xf32>
      %swap3A_76 = vector.shape_cast %broadcast_in_dim3A_72 : vector<1x16xf32> to vector<1x16xf32>
      tpu.vector_store %arg8[%swap3A, %swap3A_73], %swap3A_76 {strides = array<i32>} : memref<128x128xf32, #tpu.memory_space<vmem>>, vector<1x16xf32>,
      %broadcast_in_dim3A_77 = arith.constant 0.000000e+00 : f32
      %broadcast_in_dim3A_78 = vector.broadcast %broadcast_in_dim3A_77 : f32 to vector<1x16xf32>
      %swap3A_79 = arith.index_cast %add3A_71 : i32 to index
      %swap3A_80 = arith.constant 16 : index
      %swap3A_81 = tpu.vector_load %arg8[%swap3A_79, %swap3A_80] {strides = array<i32>} : memref<128x128xf32, #tpu.memory_space<vmem>>, vector<1x16xf32>,
      %swap3A_82 = vector.shape_cast %swap3A_81 : vector<1x16xf32> to vector<1x16xf32>
      %swap3A_83 = vector.shape_cast %broadcast_in_dim3A_78 : vector<1x16xf32> to vector<1x16xf32>
      tpu.vector_store %arg8[%swap3A_79, %swap3A_80], %swap3A_83 {strides = array<i32>} : memref<128x128xf32, #tpu.memory_space<vmem>>, vector<1x16xf32>,
      %broadcast_in_dim3A_84 = arith.constant 0.000000e+00 : f32
      %broadcast_in_dim3A_85 = vector.broadcast %broadcast_in_dim3A_84 : f32 to vector<1x16xf32>
      %swap3A_86 = arith.index_cast %add3A_71 : i32 to index
      %swap3A_87 = arith.constant 32 : index
      %swap3A_88 = tpu.vector_load %arg8[%swap3A_86, %swap3A_87] {strides = array<i32>} : memref<128x128xf32, #tpu.memory_space<vmem>>, vector<1x16xf32>,
      %swap3A_89 = vector.shape_cast %swap3A_88 : vector<1x16xf32> to vector<1x16xf32>
      %swap3A_90 = vector.shape_cast %broadcast_in_dim3A_85 : vector<1x16xf32> to vector<1x16xf32>
      tpu.vector_store %arg8[%swap3A_86, %swap3A_87], %swap3A_90 {strides = array<i32>} : memref<128x128xf32, #tpu.memory_space<vmem>>, vector<1x16xf32>,
      %broadcast_in_dim3A_91 = arith.constant 0.000000e+00 : f32
      %broadcast_in_dim3A_92 = vector.broadcast %broadcast_in_dim3A_91 : f32 to vector<1x16xf32>
      %swap3A_93 = arith.index_cast %add3A_71 : i32 to index
      %swap3A_94 = arith.constant 48 : index
      %swap3A_95 = tpu.vector_load %arg8[%swap3A_93, %swap3A_94] {strides = array<i32>} : memref<128x128xf32, #tpu.memory_space<vmem>>, vector<1x16xf32>,
      %swap3A_96 = vector.shape_cast %swap3A_95 : vector<1x16xf32> to vector<1x16xf32>
      %swap3A_97 = vector.shape_cast %broadcast_in_dim3A_92 : vector<1x16xf32> to vector<1x16xf32>
      tpu.vector_store %arg8[%swap3A_93, %swap3A_94], %swap3A_97 {strides = array<i32>} : memref<128x128xf32, #tpu.memory_space<vmem>>, vector<1x16xf32>,
      %broadcast_in_dim3A_98 = arith.constant 0.000000e+00 : f32
      %broadcast_in_dim3A_99 = vector.broadcast %broadcast_in_dim3A_98 : f32 to vector<1x16xf32>
      %swap3A_100 = arith.index_cast %add3A_71 : i32 to index
      %swap3A_101 = arith.constant 64 : index
      %swap3A_102 = tpu.vector_load %arg8[%swap3A_100, %swap3A_101] {strides = array<i32>} : memref<128x128xf32, #tpu.memory_space<vmem>>, vector<1x16xf32>,
      %swap3A_103 = vector.shape_cast %swap3A_102 : vector<1x16xf32> to vector<1x16xf32>
      %swap3A_104 = vector.shape_cast %broadcast_in_dim3A_99 : vector<1x16xf32> to vector<1x16xf32>
      tpu.vector_store %arg8[%swap3A_100, %swap3A_101], %swap3A_104 {strides = array<i32>} : memref<128x128xf32, #tpu.memory_space<vmem>>, vector<1x16xf32>,
      %broadcast_in_dim3A_105 = arith.constant 0.000000e+00 : f32
      %broadcast_in_dim3A_106 = vector.broadcast %broadcast_in_dim3A_105 : f32 to vector<1x16xf32>
      %swap3A_107 = arith.index_cast %add3A_71 : i32 to index
      %swap3A_108 = arith.constant 80 : index
      %swap3A_109 = tpu.vector_load %arg8[%swap3A_107, %swap3A_108] {strides = array<i32>} : memref<128x128xf32, #tpu.memory_space<vmem>>, vector<1x16xf32>,
      %swap3A_110 = vector.shape_cast %swap3A_109 : vector<1x16xf32> to vector<1x16xf32>
      %swap3A_111 = vector.shape_cast %broadcast_in_dim3A_106 : vector<1x16xf32> to vector<1x16xf32>
      tpu.vector_store %arg8[%swap3A_107, %swap3A_108], %swap3A_111 {strides = array<i32>} : memref<128x128xf32, #tpu.memory_space<vmem>>, vector<1x16xf32>,
      %broadcast_in_dim3A_112 = arith.constant 0.000000e+00 : f32
      %broadcast_in_dim3A_113 = vector.broadcast %broadcast_in_dim3A_112 : f32 to vector<1x16xf32>
      %swap3A_114 = arith.index_cast %add3A_71 : i32 to index
      %swap3A_115 = arith.constant 96 : index
      %swap3A_116 = tpu.vector_load %arg8[%swap3A_114, %swap3A_115] {strides = array<i32>} : memref<128x128xf32, #tpu.memory_space<vmem>>, vector<1x16xf32>,
      %swap3A_117 = vector.shape_cast %swap3A_116 : vector<1x16xf32> to vector<1x16xf32>
      %swap3A_118 = vector.shape_cast %broadcast_in_dim3A_113 : vector<1x16xf32> to vector<1x16xf32>
      tpu.vector_store %arg8[%swap3A_114, %swap3A_115], %swap3A_118 {strides = array<i32>} : memref<128x128xf32, #tpu.memory_space<vmem>>, vector<1x16xf32>,
      %broadcast_in_dim3A_119 = arith.constant 0.000000e+00 : f32
      %broadcast_in_dim3A_120 = vector.broadcast %broadcast_in_dim3A_119 : f32 to vector<1x16xf32>
      %swap3A_121 = arith.index_cast %add3A_71 : i32 to index
      %swap3A_122 = arith.constant 112 : index
      %swap3A_123 = tpu.vector_load %arg8[%swap3A_121, %swap3A_122] {strides = array<i32>} : memref<128x128xf32, #tpu.memory_space<vmem>>, vector<1x16xf32>,
      %swap3A_124 = vector.shape_cast %swap3A_123 : vector<1x16xf32> to vector<1x16xf32>
      %swap3A_125 = vector.shape_cast %broadcast_in_dim3A_120 : vector<1x16xf32> to vector<1x16xf32>
      tpu.vector_store %arg8[%swap3A_121, %swap3A_122], %swap3A_125 {strides = array<i32>} : memref<128x128xf32, #tpu.memory_space<vmem>>, vector<1x16xf32>,
    }
    %scan3A_19 = arith.constant 128 : i32
    %scan3A_20 = arith.constant 0 : i32
    %scan3A_21 = arith.constant 5 : i32
    %scan3A_22 = arith.addi %scan3A_20, %scan3A_21 : i32
    %scan3A_23 = arith.constant 1 : i32
    scf.for %scan3A_67 = %scan3A_20 to %scan3A_22 step %scan3A_23  : i32 {
      %mul3A_68 = arith.constant 1 : i32
      %mul3A_69 = arith.muli %scan3A_67, %mul3A_68 : i32
      %add3A_70 = arith.constant 0 : i32
      %add3A_71 = arith.addi %add3A_70, %mul3A_69 : i32
      %mul3A_72 = arith.constant 640 : i32
      %mul3A_73 = arith.muli %arg1, %mul3A_72 : i32
      %mul3A_74 = arith.constant 128 : i32
      %mul3A_75 = arith.muli %add3A_71, %mul3A_74 : i32
      %add3A_76 = arith.addi %mul3A_73, %mul3A_75 : i32
      "tpu.region"() ({
        %run_scoped3A = tpu.sem_alloc : memref<!tpu.dma_semaphore, #tpu.memory_space<semaphore_mem>>
        %dma_start3A_77 = arith.constant 0 : i32
        %dma_start3A_78 = tpu.memref_slice %arg14[%add3A_76, %dma_start3A_77] : memref<10240x128xf32, #tpu.memory_space<vmem_shared>> -> memref<128x128xf32, #tpu.memory_space<vmem_shared>>
        %dma_start3A_79 = arith.constant 0 : i32
        %dma_start3A_80 = tpu.memref_slice %arg14[%add3A_76, %dma_start3A_79] : memref<10240x128xf32, #tpu.memory_space<vmem_shared>> -> memref<128x128xf32, #tpu.memory_space<vmem_shared>>
        tpu.enqueue_dma source(%arg8 : memref<128x128xf32, #tpu.memory_space<vmem>>) target(%dma_start3A_80 : memref<128x128xf32, #tpu.memory_space<vmem_shared>>) target_semaphore(%run_scoped3A : memref<!tpu.dma_semaphore, #tpu.memory_space<semaphore_mem>>)
        %dma_wait3A_81 = arith.constant 0 : i32
        %dma_wait3A_82 = tpu.memref_slice %arg14[%add3A_76, %dma_wait3A_81] : memref<10240x128xf32, #tpu.memory_space<vmem_shared>> -> memref<128x128xf32, #tpu.memory_space<vmem_shared>>
        %dma_wait3A_83 = arith.constant 0 : i32
        %dma_wait3A_84 = tpu.memref_slice %arg14[%add3A_76, %dma_wait3A_83] : memref<10240x128xf32, #tpu.memory_space<vmem_shared>> -> memref<128x128xf32, #tpu.memory_space<vmem_shared>>
        tpu.wait_dma2 semaphore(%run_scoped3A : memref<!tpu.dma_semaphore, #tpu.memory_space<semaphore_mem>>) src(%arg8 : memref<128x128xf32, #tpu.memory_space<vmem>>) dst(%dma_wait3A_84 : memref<128x128xf32, #tpu.memory_space<vmem_shared>>)
        tpu.yield
      }) : () -> ()
    }
    %scan3A_24 = arith.constant 5 : i32
    %dma_wait3A = arith.constant 0 : i32
    %dma_wait3A_25 = arith.constant 0 : i32
    %dma_wait3A_26 = tpu.memref_slice %arg2[%add3A, %dma_wait3A, %dma_wait3A_25] : memref<32x40x128xi32, #tpu.memory_space<hbm>> -> memref<1x40x128xi32, #tpu.memory_space<hbm>>
    %dma_wait3A_27 = tpu.memref_squeeze %dma_wait3A_26 : memref<1x40x128xi32, #tpu.memory_space<hbm>> -> memref<40x128xi32, #tpu.memory_space<hbm>>
    %dma_wait3A_28 = arith.constant 0 : i32
    %dma_wait3A_29 = arith.constant 0 : i32
    %dma_wait3A_30 = tpu.memref_slice %arg2[%add3A, %dma_wait3A_28, %dma_wait3A_29] : memref<32x40x128xi32, #tpu.memory_space<hbm>> -> memref<1x40x128xi32, #tpu.memory_space<hbm>>
    %dma_wait3A_31 = tpu.memref_squeeze %dma_wait3A_30 : memref<1x40x128xi32, #tpu.memory_space<hbm>> -> memref<40x128xi32, #tpu.memory_space<hbm>>
    tpu.wait_dma2 semaphore(%arg10 : memref<!tpu.dma_semaphore, #tpu.memory_space<semaphore_mem>>) src(%dma_wait3A_31 : memref<40x128xi32, #tpu.memory_space<hbm>>) dst(%arg6 : memref<40x128xi32, #tpu.memory_space<vmem>>)
    %dma_wait3A_32 = arith.constant 0 : i32
    %dma_wait3A_33 = arith.constant 0 : i32
    %dma_wait3A_34 = tpu.memref_slice %arg3[%add3A, %dma_wait3A_32, %dma_wait3A_33] : memref<32x40x128xi32, #tpu.memory_space<hbm>> -> memref<1x40x128xi32, #tpu.memory_space<hbm>>
    %dma_wait3A_35 = tpu.memref_squeeze %dma_wait3A_34 : memref<1x40x128xi32, #tpu.memory_space<hbm>> -> memref<40x128xi32, #tpu.memory_space<hbm>>
    %dma_wait3A_36 = arith.constant 0 : i32
    %dma_wait3A_37 = arith.constant 0 : i32
    %dma_wait3A_38 = tpu.memref_slice %arg3[%add3A, %dma_wait3A_36, %dma_wait3A_37] : memref<32x40x128xi32, #tpu.memory_space<hbm>> -> memref<1x40x128xi32, #tpu.memory_space<hbm>>
    %dma_wait3A_39 = tpu.memref_squeeze %dma_wait3A_38 : memref<1x40x128xi32, #tpu.memory_space<hbm>> -> memref<40x128xi32, #tpu.memory_space<hbm>>
    tpu.wait_dma2 semaphore(%arg11 : memref<!tpu.dma_semaphore, #tpu.memory_space<semaphore_mem>>) src(%dma_wait3A_39 : memref<40x128xi32, #tpu.memory_space<hbm>>) dst(%arg7 : memref<40x128xi32, #tpu.memory_space<vmem>>)
    %barrier3A = arith.constant 0 : index
    tpu.barrier barrier_id(%barrier3A)
    %dma_start3A_40 = arith.constant 0 : i32
    %dma_start3A_41 = arith.constant 0 : i32
    %dma_start3A_42 = tpu.memref_slice %arg6[%dma_start3A_40, %dma_start3A_41] : memref<40x128xi32, #tpu.memory_space<vmem>> -> memref<1x128xi32, #tpu.memory_space<vmem>>
    %dma_start3A_43 = tpu.memref_squeeze %dma_start3A_42 : memref<1x128xi32, #tpu.memory_space<vmem>> -> memref<128xi32, #tpu.memory_space<vmem>>
    %dma_start3A_44 = arith.constant 0 : i32
    %dma_start3A_45 = arith.constant 0 : i32
    %dma_start3A_46 = tpu.memref_slice %arg4[%dma_start3A_44, %dma_start3A_45] : memref<10000x128xf32, #tpu.memory_space<hbm>> -> memref<10000x128xf32, #tpu.memory_space<hbm>>
    tpu.enqueue_indirect_dma source(%dma_start3A_46 : memref<10000x128xf32, #tpu.memory_space<hbm>>) target(%arg8 : memref<128x128xf32, #tpu.memory_space<vmem>>) offsets(%dma_start3A_43 : memref<128xi32, #tpu.memory_space<vmem>>) semaphore(%arg10 : memref<!tpu.dma_semaphore, #tpu.memory_space<semaphore_mem>>)
    %dma_start3A_47 = arith.constant 1 : i32
    %dma_start3A_48 = arith.constant 0 : i32
    %dma_start3A_49 = tpu.memref_slice %arg6[%dma_start3A_47, %dma_start3A_48] : memref<40x128xi32, #tpu.memory_space<vmem>> -> memref<1x128xi32, #tpu.memory_space<vmem>>
    %dma_start3A_50 = tpu.memref_squeeze %dma_start3A_49 : memref<1x128xi32, #tpu.memory_space<vmem>> -> memref<128xi32, #tpu.memory_space<vmem>>
    %dma_start3A_51 = arith.constant 0 : i32
    %dma_start3A_52 = arith.constant 0 : i32
    %dma_start3A_53 = tpu.memref_slice %arg4[%dma_start3A_51, %dma_start3A_52] : memref<10000x128xf32, #tpu.memory_space<hbm>> -> memref<10000x128xf32, #tpu.memory_space<hbm>>
    tpu.enqueue_indirect_dma source(%dma_start3A_53 : memref<10000x128xf32, #tpu.memory_space<hbm>>) target(%arg9 : memref<128x128xf32, #tpu.memory_space<vmem>>) offsets(%dma_start3A_50 : memref<128xi32, #tpu.memory_space<vmem>>) semaphore(%arg11 : memref<!tpu.dma_semaphore, #tpu.memory_space<semaphore_mem>>)
    %scan3A_54 = arith.constant 0 : i32
    %scan3A_55 = arith.constant 20 : i32
    %scan3A_56 = arith.addi %scan3A_54, %scan3A_55 : i32
    %scan3A_57 = arith.constant 1 : i32
    scf.for %scan3A_67 = %scan3A_54 to %scan3A_56 step %scan3A_57  : i32 {
      %mul3A_68 = arith.constant 2 : i32
      %mul3A_69 = arith.muli %scan3A_67, %mul3A_68 : i32
      %add3A_70 = arith.constant 0 : i32
      %add3A_71 = arith.addi %add3A_70, %mul3A_69 : i32
      %add3A_72 = arith.constant 0 : i32
      %add3A_73 = arith.addi %add3A_71, %add3A_72 : i32
      %dma_wait3A_74 = arith.constant 0 : i32
      %dma_wait3A_75 = tpu.memref_slice %arg6[%add3A_73, %dma_wait3A_74] : memref<40x128xi32, #tpu.memory_space<vmem>> -> memref<1x128xi32, #tpu.memory_space<vmem>>
      %dma_wait3A_76 = tpu.memref_squeeze %dma_wait3A_75 : memref<1x128xi32, #tpu.memory_space<vmem>> -> memref<128xi32, #tpu.memory_space<vmem>>
      %dma_wait3A_77 = arith.constant 0 : i32
      %dma_wait3A_78 = arith.constant 0 : i32
      %dma_wait3A_79 = tpu.memref_slice %arg4[%dma_wait3A_77, %dma_wait3A_78] : memref<10000x128xf32, #tpu.memory_space<hbm>> -> memref<10000x128xf32, #tpu.memory_space<hbm>>
      tpu.wait_indirect_dma semaphore(%arg10 : memref<!tpu.dma_semaphore, #tpu.memory_space<semaphore_mem>>) src(%dma_wait3A_79 : memref<10000x128xf32, #tpu.memory_space<hbm>>) dst(%arg8 : memref<128x128xf32, #tpu.memory_space<vmem>>)
      %dma_start3A_80 = arith.constant 0 : i32
      %dma_start3A_81 = tpu.memref_slice %arg7[%add3A_73, %dma_start3A_80] : memref<40x128xi32, #tpu.memory_space<vmem>> -> memref<1x128xi32, #tpu.memory_space<vmem>>
      %dma_start3A_82 = tpu.memref_squeeze %dma_start3A_81 : memref<1x128xi32, #tpu.memory_space<vmem>> -> memref<128xi32, #tpu.memory_space<vmem>>
      %dma_start3A_83 = arith.constant 0 : i32
      %dma_start3A_84 = arith.constant 0 : i32
      %dma_start3A_85 = tpu.memref_slice %arg14[%dma_start3A_83, %dma_start3A_84] : memref<10240x128xf32, #tpu.memory_space<vmem_shared>> -> memref<10240x128xf32, #tpu.memory_space<vmem_shared>>
      tpu.enqueue_indirect_dma source(%arg8 : memref<128x128xf32, #tpu.memory_space<vmem>>) target(%dma_start3A_85 : memref<10240x128xf32, #tpu.memory_space<vmem_shared>>) offsets(%dma_start3A_82 : memref<128xi32, #tpu.memory_space<vmem>>) semaphore(%arg12 : memref<!tpu.dma_semaphore, #tpu.memory_space<semaphore_mem>>) {add = true}
      %add3A_86 = arith.constant 1 : i32
      %add3A_87 = arith.addi %add3A_71, %add3A_86 : i32
      %dma_wait3A_88 = arith.constant 0 : i32
      %dma_wait3A_89 = tpu.memref_slice %arg6[%add3A_87, %dma_wait3A_88] : memref<40x128xi32, #tpu.memory_space<vmem>> -> memref<1x128xi32, #tpu.memory_space<vmem>>
      %dma_wait3A_90 = tpu.memref_squeeze %dma_wait3A_89 : memref<1x128xi32, #tpu.memory_space<vmem>> -> memref<128xi32, #tpu.memory_space<vmem>>
      %dma_wait3A_91 = arith.constant 0 : i32
      %dma_wait3A_92 = arith.constant 0 : i32
      %dma_wait3A_93 = tpu.memref_slice %arg4[%dma_wait3A_91, %dma_wait3A_92] : memref<10000x128xf32, #tpu.memory_space<hbm>> -> memref<10000x128xf32, #tpu.memory_space<hbm>>
      tpu.wait_indirect_dma semaphore(%arg11 : memref<!tpu.dma_semaphore, #tpu.memory_space<semaphore_mem>>) src(%dma_wait3A_93 : memref<10000x128xf32, #tpu.memory_space<hbm>>) dst(%arg9 : memref<128x128xf32, #tpu.memory_space<vmem>>)
      %dma_start3A_94 = arith.constant 0 : i32
      %dma_start3A_95 = tpu.memref_slice %arg7[%add3A_87, %dma_start3A_94] : memref<40x128xi32, #tpu.memory_space<vmem>> -> memref<1x128xi32, #tpu.memory_space<vmem>>
      %dma_start3A_96 = tpu.memref_squeeze %dma_start3A_95 : memref<1x128xi32, #tpu.memory_space<vmem>> -> memref<128xi32, #tpu.memory_space<vmem>>
      %dma_start3A_97 = arith.constant 0 : i32
      %dma_start3A_98 = arith.constant 0 : i32
      %dma_start3A_99 = tpu.memref_slice %arg14[%dma_start3A_97, %dma_start3A_98] : memref<10240x128xf32, #tpu.memory_space<vmem_shared>> -> memref<10240x128xf32, #tpu.memory_space<vmem_shared>>
      tpu.enqueue_indirect_dma source(%arg9 : memref<128x128xf32, #tpu.memory_space<vmem>>) target(%dma_start3A_99 : memref<10240x128xf32, #tpu.memory_space<vmem_shared>>) offsets(%dma_start3A_96 : memref<128xi32, #tpu.memory_space<vmem>>) semaphore(%arg13 : memref<!tpu.dma_semaphore, #tpu.memory_space<semaphore_mem>>) {add = true}
      %add3A_100 = arith.constant 0 : i32
      %add3A_101 = arith.addi %add3A_71, %add3A_100 : i32
      %dma_wait3A_102 = arith.constant 0 : i32
      %dma_wait3A_103 = tpu.memref_slice %arg7[%add3A_101, %dma_wait3A_102] : memref<40x128xi32, #tpu.memory_space<vmem>> -> memref<1x128xi32, #tpu.memory_space<vmem>>
      %dma_wait3A_104 = tpu.memref_squeeze %dma_wait3A_103 : memref<1x128xi32, #tpu.memory_space<vmem>> -> memref<128xi32, #tpu.memory_space<vmem>>
      %dma_wait3A_105 = arith.constant 0 : i32
      %dma_wait3A_106 = arith.constant 0 : i32
      %dma_wait3A_107 = tpu.memref_slice %arg14[%dma_wait3A_105, %dma_wait3A_106] : memref<10240x128xf32, #tpu.memory_space<vmem_shared>> -> memref<10240x128xf32, #tpu.memory_space<vmem_shared>>
      tpu.wait_indirect_dma semaphore(%arg12 : memref<!tpu.dma_semaphore, #tpu.memory_space<semaphore_mem>>) src(%arg8 : memref<128x128xf32, #tpu.memory_space<vmem>>) dst(%dma_wait3A_107 : memref<10240x128xf32, #tpu.memory_space<vmem_shared>>)
      %add3A_108 = arith.constant 2 : i32
      %add3A_109 = arith.addi %add3A_101, %add3A_108 : i32
      %lt3A = arith.constant 40 : i32
      %lt3A_110 = arith.cmpi slt, %add3A_109, %lt3A : i32
      %convert_element_type3A = arith.extui %lt3A_110 : i1 to i32
      %cond3A = arith.constant 0 : i32
      %cond3A_111 = arith.cmpi ne, %convert_element_type3A, %cond3A : i32
      scf.if %cond3A_111 {
        %add3A_127 = arith.constant 2 : i32
        %add3A_128 = arith.addi %add3A_101, %add3A_127 : i32
        %dma_start3A_129 = arith.constant 0 : i32
        %dma_start3A_130 = tpu.memref_slice %arg6[%add3A_128, %dma_start3A_129] : memref<40x128xi32, #tpu.memory_space<vmem>> -> memref<1x128xi32, #tpu.memory_space<vmem>>
        %dma_start3A_131 = tpu.memref_squeeze %dma_start3A_130 : memref<1x128xi32, #tpu.memory_space<vmem>> -> memref<128xi32, #tpu.memory_space<vmem>>
        %dma_start3A_132 = arith.constant 0 : i32
        %dma_start3A_133 = arith.constant 0 : i32
        %dma_start3A_134 = tpu.memref_slice %arg4[%dma_start3A_132, %dma_start3A_133] : memref<10000x128xf32, #tpu.memory_space<hbm>> -> memref<10000x128xf32, #tpu.memory_space<hbm>>
        tpu.enqueue_indirect_dma source(%dma_start3A_134 : memref<10000x128xf32, #tpu.memory_space<hbm>>) target(%arg8 : memref<128x128xf32, #tpu.memory_space<vmem>>) offsets(%dma_start3A_131 : memref<128xi32, #tpu.memory_space<vmem>>) semaphore(%arg10 : memref<!tpu.dma_semaphore, #tpu.memory_space<semaphore_mem>>)
      } else {
      }
      %add3A_112 = arith.constant 1 : i32
      %add3A_113 = arith.addi %add3A_71, %add3A_112 : i32
      %dma_wait3A_114 = arith.constant 0 : i32
      %dma_wait3A_115 = tpu.memref_slice %arg7[%add3A_113, %dma_wait3A_114] : memref<40x128xi32, #tpu.memory_space<vmem>> -> memref<1x128xi32, #tpu.memory_space<vmem>>
      %dma_wait3A_116 = tpu.memref_squeeze %dma_wait3A_115 : memref<1x128xi32, #tpu.memory_space<vmem>> -> memref<128xi32, #tpu.memory_space<vmem>>
      %dma_wait3A_117 = arith.constant 0 : i32
      %dma_wait3A_118 = arith.constant 0 : i32
      %dma_wait3A_119 = tpu.memref_slice %arg14[%dma_wait3A_117, %dma_wait3A_118] : memref<10240x128xf32, #tpu.memory_space<vmem_shared>> -> memref<10240x128xf32, #tpu.memory_space<vmem_shared>>
      tpu.wait_indirect_dma semaphore(%arg13 : memref<!tpu.dma_semaphore, #tpu.memory_space<semaphore_mem>>) src(%arg9 : memref<128x128xf32, #tpu.memory_space<vmem>>) dst(%dma_wait3A_119 : memref<10240x128xf32, #tpu.memory_space<vmem_shared>>)
      %add3A_120 = arith.constant 2 : i32
      %add3A_121 = arith.addi %add3A_113, %add3A_120 : i32
      %lt3A_122 = arith.constant 40 : i32
      %lt3A_123 = arith.cmpi slt, %add3A_121, %lt3A_122 : i32
      %convert_element_type3A_124 = arith.extui %lt3A_123 : i1 to i32
      %cond3A_125 = arith.constant 0 : i32
      %cond3A_126 = arith.cmpi ne, %convert_element_type3A_124, %cond3A_125 : i32
      scf.if %cond3A_126 {
        %add3A_127 = arith.constant 2 : i32
        %add3A_128 = arith.addi %add3A_113, %add3A_127 : i32
        %dma_start3A_129 = arith.constant 0 : i32
        %dma_start3A_130 = tpu.memref_slice %arg6[%add3A_128, %dma_start3A_129] : memref<40x128xi32, #tpu.memory_space<vmem>> -> memref<1x128xi32, #tpu.memory_space<vmem>>
        %dma_start3A_131 = tpu.memref_squeeze %dma_start3A_130 : memref<1x128xi32, #tpu.memory_space<vmem>> -> memref<128xi32, #tpu.memory_space<vmem>>
        %dma_start3A_132 = arith.constant 0 : i32
        %dma_start3A_133 = arith.constant 0 : i32
        %dma_start3A_134 = tpu.memref_slice %arg4[%dma_start3A_132, %dma_start3A_133] : memref<10000x128xf32, #tpu.memory_space<hbm>> -> memref<10000x128xf32, #tpu.memory_space<hbm>>
        tpu.enqueue_indirect_dma source(%dma_start3A_134 : memref<10000x128xf32, #tpu.memory_space<hbm>>) target(%arg9 : memref<128x128xf32, #tpu.memory_space<vmem>>) offsets(%dma_start3A_131 : memref<128xi32, #tpu.memory_space<vmem>>) semaphore(%arg11 : memref<!tpu.dma_semaphore, #tpu.memory_space<semaphore_mem>>)
      } else {
      }
    }
    %scan3A_58 = arith.constant 20 : i32
    %barrier3A_59 = arith.constant 0 : index
    tpu.barrier barrier_id(%barrier3A_59)
    %mul3A_60 = arith.constant 640 : i32
    %mul3A_61 = arith.muli %arg1, %mul3A_60 : i32
    %mul3A_62 = arith.constant 10240 : i32
    %mul3A_63 = arith.muli %arg0, %mul3A_62 : i32
    %mul3A_64 = arith.constant 640 : i32
    %mul3A_65 = arith.muli %arg1, %mul3A_64 : i32
    %add3A_66 = arith.addi %mul3A_63, %mul3A_65 : i32
    "tpu.region"() ({
      %run_scoped3A = tpu.sem_alloc : memref<!tpu.dma_semaphore, #tpu.memory_space<semaphore_mem>>
      %dma_start3A_67 = arith.constant 0 : i32
      %dma_start3A_68 = tpu.memref_slice %arg5[%add3A_66, %dma_start3A_67] : memref<20480x128xf32, #tpu.memory_space<hbm>> -> memref<640x128xf32, #tpu.memory_space<hbm>>
      %dma_start3A_69 = arith.constant 0 : i32
      %dma_start3A_70 = tpu.memref_slice %arg14[%mul3A_61, %dma_start3A_69] : memref<10240x128xf32, #tpu.memory_space<vmem_shared>> -> memref<640x128xf32, #tpu.memory_space<vmem_shared>>
      tpu.enqueue_dma source(%dma_start3A_70 : memref<640x128xf32, #tpu.memory_space<vmem_shared>>) target(%dma_start3A_68 : memref<640x128xf32, #tpu.memory_space<hbm>>) target_semaphore(%run_scoped3A : memref<!tpu.dma_semaphore, #tpu.memory_space<semaphore_mem>>)
      %dma_wait3A_71 = arith.constant 0 : i32
      %dma_wait3A_72 = tpu.memref_slice %arg5[%add3A_66, %dma_wait3A_71] : memref<20480x128xf32, #tpu.memory_space<hbm>> -> memref<640x128xf32, #tpu.memory_space<hbm>>
      %dma_wait3A_73 = arith.constant 0 : i32
      %dma_wait3A_74 = tpu.memref_slice %arg14[%mul3A_61, %dma_wait3A_73] : memref<10240x128xf32, #tpu.memory_space<vmem_shared>> -> memref<640x128xf32, #tpu.memory_space<vmem_shared>>
      tpu.wait_dma2 semaphore(%run_scoped3A : memref<!tpu.dma_semaphore, #tpu.memory_space<semaphore_mem>>) src(%dma_wait3A_74 : memref<640x128xf32, #tpu.memory_space<vmem_shared>>) dst(%dma_wait3A_72 : memref<640x128xf32, #tpu.memory_space<hbm>>)
      tpu.yield
    }) : () -> ()
    return
  }
}

module attributes {stable_mosaic.version = 14 : i64} {
  func.func @_tc_mid_body(%arg0: i32, %arg1: memref<512x128xf32, #tpu.memory_space<vmem>>, %arg2: memref<512x128xf32, #tpu.memory_space<vmem>>, %arg3: memref<512x128xf32, #tpu.memory_space<vmem>>, %arg4: memref<128x256xf32, #tpu.memory_space<vmem>>, %arg5: memref<1x128xf32, #tpu.memory_space<vmem>>, %arg6: memref<512x128xf32, #tpu.memory_space<vmem>>, %arg7: memref<512x128xf32, #tpu.memory_space<vmem>>, %arg8: memref<512x128xf32, #tpu.memory_space<vmem>>) attributes {dimension_semantics = [#tpu.dimension_semantics<arbitrary>], iteration_bounds = array<i64: 20>, scalar_prefetch = 0 : i64, scratch_operands = 0 : i64, tpu.core_type = #tpu.core_type<tc>, window_params = [{transform_indices = @transform_0, window_bounds = array<i64: 512, 128>}, {transform_indices = @transform_1, window_bounds = array<i64: 512, 128>}, {transform_indices = @transform_2, window_bounds = array<i64: 512, 128>}, {pipeline_mode = #tpu.pipeline_mode<synchronous>, transform_indices = @transform_3, window_bounds = array<i64: 128, 256>}, {pipeline_mode = #tpu.pipeline_mode<synchronous>, transform_indices = @transform_4, window_bounds = array<i64: 1, 128>}, {transform_indices = @transform_5, window_bounds = array<i64: 512, 128>}, {transform_indices = @transform_6, window_bounds = array<i64: 512, 128>}, {transform_indices = @transform_7, window_bounds = array<i64: 512, 128>}]} {
    %get3A = arith.constant 0 : index
    %get3A_0 = arith.constant 0 : index
    %get3A_1 = vector.load %arg1[%get3A, %get3A_0] : memref<512x128xf32, #tpu.memory_space<vmem>>, vector<512x128xf32>
    %get3A_2 = arith.constant 0 : index
    %get3A_3 = arith.constant 0 : index
    %get3A_4 = vector.load %arg2[%get3A_2, %get3A_3] : memref<512x128xf32, #tpu.memory_space<vmem>>, vector<512x128xf32>
    %add3A = arith.addf %get3A_1, %get3A_4 : vector<512x128xf32>
    %get3A_5 = arith.constant 0 : index
    %get3A_6 = arith.constant 0 : index
    %get3A_7 = vector.load %arg3[%get3A_5, %get3A_6] : memref<512x128xf32, #tpu.memory_space<vmem>>, vector<512x128xf32>
    %add3A_8 = arith.addf %add3A, %get3A_7 : vector<512x128xf32>
    %max3A = arith.constant 0.000000e+00 : f32
    %max3A_9 = vector.broadcast %max3A : f32 to vector<512x128xf32>
    %max3A_10 = arith.maximumf %add3A_8, %max3A_9 : vector<512x128xf32>
    %get3A_11 = arith.constant 0 : index
    %get3A_12 = arith.constant 0 : index
    %get3A_13 = vector.load %arg4[%get3A_11, %get3A_12] : memref<128x256xf32, #tpu.memory_space<vmem>>, vector<128x256xf32>
    %dot_general3A = arith.constant dense<0.000000e+00> : vector<512x256xf32>
    %dot_general3A_14 = tpu.matmul %max3A_10, %get3A_13, %dot_general3A {dimension_numbers = #tpu.dot_dimension_numbers<[1], [0], [0], [1], [0, 0, 1, 1], [], []>, transpose_lhs_hint = false} : vector<512x128xf32>, vector<128x256xf32>, vector<512x256xf32> -> vector<512x256xf32>
    %swap3A = arith.constant 0 : index
    %swap3A_15 = arith.constant 0 : index
    %swap3A_16 = vector.load %arg6[%swap3A, %swap3A_15] : memref<512x128xf32, #tpu.memory_space<vmem>>, vector<512x128xf32>
    tpu.vector_store %arg6[%swap3A, %swap3A_15], %max3A_10 {strides = array<i32>} : memref<512x128xf32, #tpu.memory_space<vmem>>, vector<512x128xf32>,
    %slice3A = vector.extract_strided_slice %dot_general3A_14 {offsets = [0, 0], sizes = [512, 128], strides = [1, 1]} : vector<512x256xf32> to vector<512x128xf32>
    %swap3A_17 = arith.constant 0 : index
    %swap3A_18 = arith.constant 0 : index
    %swap3A_19 = vector.load %arg7[%swap3A_17, %swap3A_18] : memref<512x128xf32, #tpu.memory_space<vmem>>, vector<512x128xf32>
    tpu.vector_store %arg7[%swap3A_17, %swap3A_18], %slice3A {strides = array<i32>} : memref<512x128xf32, #tpu.memory_space<vmem>>, vector<512x128xf32>,
    %slice3A_20 = vector.extract_strided_slice %dot_general3A_14 {offsets = [0, 128], sizes = [512, 128], strides = [1, 1]} : vector<512x256xf32> to vector<512x128xf32>
    %get3A_21 = arith.constant 0 : index
    %get3A_22 = arith.constant 0 : index
    %get3A_23 = vector.load %arg5[%get3A_21, %get3A_22] : memref<1x128xf32, #tpu.memory_space<vmem>>, vector<1x128xf32>
    %add3A_24 = vector.broadcast %get3A_23 : vector<1x128xf32> to vector<512x128xf32>
    %add3A_25 = arith.addf %slice3A_20, %add3A_24 : vector<512x128xf32>
    %swap3A_26 = arith.constant 0 : index
    %swap3A_27 = arith.constant 0 : index
    %swap3A_28 = vector.load %arg8[%swap3A_26, %swap3A_27] : memref<512x128xf32, #tpu.memory_space<vmem>>, vector<512x128xf32>
    tpu.vector_store %arg8[%swap3A_26, %swap3A_27], %add3A_25 {strides = array<i32>} : memref<512x128xf32, #tpu.memory_space<vmem>>, vector<512x128xf32>,
    return
  }
  func.func @transform_0(%arg0: i32) -> (i32, i32) {
    %c0_i32 = arith.constant 0 : i32
    %c0_i32_0 = arith.constant 0 : i32
    return %arg0, %c0_i32 : i32, i32
  }
  func.func @transform_1(%arg0: i32) -> (i32, i32) {
    %add3A = arith.constant 20 : i32
    %add3A_0 = arith.addi %arg0, %add3A : i32
    %c0_i32 = arith.constant 0 : i32
    %c0_i32_1 = arith.constant 0 : i32
    return %add3A_0, %c0_i32 : i32, i32
  }
  func.func @transform_2(%arg0: i32) -> (i32, i32) {
    %c0_i32 = arith.constant 0 : i32
    %c0_i32_0 = arith.constant 0 : i32
    return %arg0, %c0_i32 : i32, i32
  }
  func.func @transform_3(%arg0: i32) -> (i32, i32) {
    %c0_i32 = arith.constant 0 : i32
    %c0_i32_0 = arith.constant 0 : i32
    %c0_i32_1 = arith.constant 0 : i32
    return %c0_i32, %c0_i32_0 : i32, i32
  }
  func.func @transform_4(%arg0: i32) -> (i32, i32) {
    %c0_i32 = arith.constant 0 : i32
    %c0_i32_0 = arith.constant 0 : i32
    %c0_i32_1 = arith.constant 0 : i32
    return %c0_i32, %c0_i32_0 : i32, i32
  }
  func.func @transform_5(%arg0: i32) -> (i32, i32) {
    %c0_i32 = arith.constant 0 : i32
    %c0_i32_0 = arith.constant 0 : i32
    return %arg0, %c0_i32 : i32, i32
  }
  func.func @transform_6(%arg0: i32) -> (i32, i32) {
    %c0_i32 = arith.constant 0 : i32
    %c0_i32_0 = arith.constant 0 : i32
    return %arg0, %c0_i32 : i32, i32
  }
  func.func @transform_7(%arg0: i32) -> (i32, i32) {
    %c0_i32 = arith.constant 0 : i32
    %c0_i32_0 = arith.constant 0 : i32
    return %arg0, %c0_i32 : i32, i32
  }
}

module attributes {stable_mosaic.version = 14 : i64} {
  func.func @_tc_in_body(%arg0: i32, %arg1: memref<512x500xf32, #tpu.memory_space<vmem>>, %arg2: memref<500x256xf32, #tpu.memory_space<vmem>>, %arg3: memref<1x128xf32, #tpu.memory_space<vmem>>, %arg4: memref<512x128xf32, #tpu.memory_space<vmem>>, %arg5: memref<512x128xf32, #tpu.memory_space<vmem>>) attributes {dimension_semantics = [#tpu.dimension_semantics<arbitrary>], iteration_bounds = array<i64: 20>, scalar_prefetch = 0 : i64, scratch_operands = 0 : i64, tpu.core_type = #tpu.core_type<tc>, window_params = [{transform_indices = @transform_0, window_bounds = array<i64: 512, 500>}, {pipeline_mode = #tpu.pipeline_mode<synchronous>, transform_indices = @transform_1, window_bounds = array<i64: 500, 256>}, {pipeline_mode = #tpu.pipeline_mode<synchronous>, transform_indices = @transform_2, window_bounds = array<i64: 1, 128>}, {transform_indices = @transform_3, window_bounds = array<i64: 512, 128>}, {transform_indices = @transform_4, window_bounds = array<i64: 512, 128>}]} {
    %get3A = arith.constant 0 : index
    %get3A_0 = arith.constant 0 : index
    %get3A_1 = vector.load %arg1[%get3A, %get3A_0] : memref<512x500xf32, #tpu.memory_space<vmem>>, vector<512x500xf32>
    %get3A_2 = arith.constant 0 : index
    %get3A_3 = arith.constant 0 : index
    %get3A_4 = vector.load %arg2[%get3A_2, %get3A_3] : memref<500x256xf32, #tpu.memory_space<vmem>>, vector<500x256xf32>
    %dot_general3A = arith.constant dense<0.000000e+00> : vector<512x256xf32>
    %dot_general3A_5 = tpu.matmul %get3A_1, %get3A_4, %dot_general3A {dimension_numbers = #tpu.dot_dimension_numbers<[1], [0], [0], [1], [0, 0, 1, 1], [], []>, transpose_lhs_hint = false} : vector<512x500xf32>, vector<500x256xf32>, vector<512x256xf32> -> vector<512x256xf32>
    %slice3A = vector.extract_strided_slice %dot_general3A_5 {offsets = [0, 0], sizes = [512, 128], strides = [1, 1]} : vector<512x256xf32> to vector<512x128xf32>
    %swap3A = arith.constant 0 : index
    %swap3A_6 = arith.constant 0 : index
    %swap3A_7 = vector.load %arg4[%swap3A, %swap3A_6] : memref<512x128xf32, #tpu.memory_space<vmem>>, vector<512x128xf32>
    tpu.vector_store %arg4[%swap3A, %swap3A_6], %slice3A {strides = array<i32>} : memref<512x128xf32, #tpu.memory_space<vmem>>, vector<512x128xf32>,
    %slice3A_8 = vector.extract_strided_slice %dot_general3A_5 {offsets = [0, 128], sizes = [512, 128], strides = [1, 1]} : vector<512x256xf32> to vector<512x128xf32>
    %get3A_9 = arith.constant 0 : index
    %get3A_10 = arith.constant 0 : index
    %get3A_11 = vector.load %arg3[%get3A_9, %get3A_10] : memref<1x128xf32, #tpu.memory_space<vmem>>, vector<1x128xf32>
    %add3A = vector.broadcast %get3A_11 : vector<1x128xf32> to vector<512x128xf32>
    %add3A_12 = arith.addf %slice3A_8, %add3A : vector<512x128xf32>
    %swap3A_13 = arith.constant 0 : index
    %swap3A_14 = arith.constant 0 : index
    %swap3A_15 = vector.load %arg5[%swap3A_13, %swap3A_14] : memref<512x128xf32, #tpu.memory_space<vmem>>, vector<512x128xf32>
    tpu.vector_store %arg5[%swap3A_13, %swap3A_14], %add3A_12 {strides = array<i32>} : memref<512x128xf32, #tpu.memory_space<vmem>>, vector<512x128xf32>,
    return
  }
  func.func @transform_0(%arg0: i32) -> (i32, i32) {
    %c0_i32 = arith.constant 0 : i32
    %c0_i32_0 = arith.constant 0 : i32
    return %arg0, %c0_i32 : i32, i32
  }
  func.func @transform_1(%arg0: i32) -> (i32, i32) {
    %c0_i32 = arith.constant 0 : i32
    %c0_i32_0 = arith.constant 0 : i32
    %c0_i32_1 = arith.constant 0 : i32
    return %c0_i32, %c0_i32_0 : i32, i32
  }
  func.func @transform_2(%arg0: i32) -> (i32, i32) {
    %c0_i32 = arith.constant 0 : i32
    %c0_i32_0 = arith.constant 0 : i32
    %c0_i32_1 = arith.constant 0 : i32
    return %c0_i32, %c0_i32_0 : i32, i32
  }
  func.func @transform_3(%arg0: i32) -> (i32, i32) {
    %c0_i32 = arith.constant 0 : i32
    %c0_i32_0 = arith.constant 0 : i32
    return %arg0, %c0_i32 : i32, i32
  }
  func.func @transform_4(%arg0: i32) -> (i32, i32) {
    %c0_i32 = arith.constant 0 : i32
    %c0_i32_0 = arith.constant 0 : i32
    return %arg0, %c0_i32 : i32, i32
  }
}

module attributes {stable_mosaic.version = 14 : i64} {
  func.func @_tc_out_body(%arg0: i32, %arg1: memref<512x128xf32, #tpu.memory_space<vmem>>, %arg2: memref<512x128xf32, #tpu.memory_space<vmem>>, %arg3: memref<512x128xf32, #tpu.memory_space<vmem>>, %arg4: memref<512x128xf32, #tpu.memory_space<vmem>>, %arg5: memref<512x128xf32, #tpu.memory_space<vmem>>, %arg6: memref<128x128xf32, #tpu.memory_space<vmem>>, %arg7: memref<128x128xf32, #tpu.memory_space<vmem>>, %arg8: memref<128x128xf32, #tpu.memory_space<vmem>>, %arg9: memref<1x128xf32, #tpu.memory_space<vmem>>, %arg10: memref<512x128xf32, #tpu.memory_space<vmem>>) attributes {dimension_semantics = [#tpu.dimension_semantics<arbitrary>], iteration_bounds = array<i64: 20>, scalar_prefetch = 0 : i64, scratch_operands = 0 : i64, tpu.core_type = #tpu.core_type<tc>, window_params = [{transform_indices = @transform_0, window_bounds = array<i64: 512, 128>}, {transform_indices = @transform_1, window_bounds = array<i64: 512, 128>}, {transform_indices = @transform_2, window_bounds = array<i64: 512, 128>}, {transform_indices = @transform_3, window_bounds = array<i64: 512, 128>}, {transform_indices = @transform_4, window_bounds = array<i64: 512, 128>}, {pipeline_mode = #tpu.pipeline_mode<synchronous>, transform_indices = @transform_5, window_bounds = array<i64: 128, 128>}, {pipeline_mode = #tpu.pipeline_mode<synchronous>, transform_indices = @transform_6, window_bounds = array<i64: 128, 128>}, {pipeline_mode = #tpu.pipeline_mode<synchronous>, transform_indices = @transform_7, window_bounds = array<i64: 128, 128>}, {pipeline_mode = #tpu.pipeline_mode<synchronous>, transform_indices = @transform_8, window_bounds = array<i64: 1, 128>}, {transform_indices = @transform_9, window_bounds = array<i64: 512, 128>}]} {
    %get3A = arith.constant 0 : index
    %get3A_0 = arith.constant 0 : index
    %get3A_1 = vector.load %arg1[%get3A, %get3A_0] : memref<512x128xf32, #tpu.memory_space<vmem>>, vector<512x128xf32>
    %get3A_2 = arith.constant 0 : index
    %get3A_3 = arith.constant 0 : index
    %get3A_4 = vector.load %arg2[%get3A_2, %get3A_3] : memref<512x128xf32, #tpu.memory_space<vmem>>, vector<512x128xf32>
    %add3A = arith.addf %get3A_1, %get3A_4 : vector<512x128xf32>
    %get3A_5 = arith.constant 0 : index
    %get3A_6 = arith.constant 0 : index
    %get3A_7 = vector.load %arg3[%get3A_5, %get3A_6] : memref<512x128xf32, #tpu.memory_space<vmem>>, vector<512x128xf32>
    %add3A_8 = arith.addf %add3A, %get3A_7 : vector<512x128xf32>
    %max3A = arith.constant 0.000000e+00 : f32
    %max3A_9 = vector.broadcast %max3A : f32 to vector<512x128xf32>
    %max3A_10 = arith.maximumf %add3A_8, %max3A_9 : vector<512x128xf32>
    %get3A_11 = arith.constant 0 : index
    %get3A_12 = arith.constant 0 : index
    %get3A_13 = vector.load %arg4[%get3A_11, %get3A_12] : memref<512x128xf32, #tpu.memory_space<vmem>>, vector<512x128xf32>
    %get3A_14 = arith.constant 0 : index
    %get3A_15 = arith.constant 0 : index
    %get3A_16 = vector.load %arg6[%get3A_14, %get3A_15] : memref<128x128xf32, #tpu.memory_space<vmem>>, vector<128x128xf32>
    %dot_general3A = arith.constant dense<0.000000e+00> : vector<512x128xf32>
    %dot_general3A_17 = tpu.matmul %get3A_13, %get3A_16, %dot_general3A {dimension_numbers = #tpu.dot_dimension_numbers<[1], [0], [0], [1], [0, 0, 1, 1], [], []>, transpose_lhs_hint = false} : vector<512x128xf32>, vector<128x128xf32>, vector<512x128xf32> -> vector<512x128xf32>
    %get3A_18 = arith.constant 0 : index
    %get3A_19 = arith.constant 0 : index
    %get3A_20 = vector.load %arg5[%get3A_18, %get3A_19] : memref<512x128xf32, #tpu.memory_space<vmem>>, vector<512x128xf32>
    %get3A_21 = arith.constant 0 : index
    %get3A_22 = arith.constant 0 : index
    %get3A_23 = vector.load %arg7[%get3A_21, %get3A_22] : memref<128x128xf32, #tpu.memory_space<vmem>>, vector<128x128xf32>
    %dot_general3A_24 = arith.constant dense<0.000000e+00> : vector<512x128xf32>
    %dot_general3A_25 = tpu.matmul %get3A_20, %get3A_23, %dot_general3A_24 {dimension_numbers = #tpu.dot_dimension_numbers<[1], [0], [0], [1], [0, 0, 1, 1], [], []>, transpose_lhs_hint = false} : vector<512x128xf32>, vector<128x128xf32>, vector<512x128xf32> -> vector<512x128xf32>
    %add3A_26 = arith.addf %dot_general3A_17, %dot_general3A_25 : vector<512x128xf32>
    %get3A_27 = arith.constant 0 : index
    %get3A_28 = arith.constant 0 : index
    %get3A_29 = vector.load %arg8[%get3A_27, %get3A_28] : memref<128x128xf32, #tpu.memory_space<vmem>>, vector<128x128xf32>
    %dot_general3A_30 = arith.constant dense<0.000000e+00> : vector<512x128xf32>
    %dot_general3A_31 = tpu.matmul %max3A_10, %get3A_29, %dot_general3A_30 {dimension_numbers = #tpu.dot_dimension_numbers<[1], [0], [0], [1], [0, 0, 1, 1], [], []>, transpose_lhs_hint = false} : vector<512x128xf32>, vector<128x128xf32>, vector<512x128xf32> -> vector<512x128xf32>
    %add3A_32 = arith.addf %add3A_26, %dot_general3A_31 : vector<512x128xf32>
    %get3A_33 = arith.constant 0 : index
    %get3A_34 = arith.constant 0 : index
    %get3A_35 = vector.load %arg9[%get3A_33, %get3A_34] : memref<1x128xf32, #tpu.memory_space<vmem>>, vector<1x128xf32>
    %add3A_36 = vector.broadcast %get3A_35 : vector<1x128xf32> to vector<512x128xf32>
    %add3A_37 = arith.addf %add3A_32, %add3A_36 : vector<512x128xf32>
    %reduce_max3A = arith.constant dense<0xFF800000> : vector<512xf32>
    %reduce_max3A_38 = vector.multi_reduction <maximumf>, %add3A_37, %reduce_max3A [1] : vector<512x128xf32> to vector<512xf32>
    %broadcast_in_dim3A = vector.shape_cast %reduce_max3A_38 : vector<512xf32> to vector<512x1xf32>
    %sub3A = vector.broadcast %broadcast_in_dim3A : vector<512x1xf32> to vector<512x128xf32>
    %sub3A_39 = arith.subf %add3A_37, %sub3A : vector<512x128xf32>
    %exp3A = math.exp %sub3A_39 : vector<512x128xf32>
    %reduce_sum3A = arith.constant dense<0.000000e+00> : vector<512xf32>
    %reduce_sum3A_40 = vector.multi_reduction <add>, %exp3A, %reduce_sum3A [1] : vector<512x128xf32> to vector<512xf32>
    %broadcast_in_dim3A_41 = vector.shape_cast %reduce_sum3A_40 : vector<512xf32> to vector<512x1xf32>
    %log3A = math.log %broadcast_in_dim3A_41 : vector<512x1xf32>
    %sub3A_42 = vector.broadcast %broadcast_in_dim3A : vector<512x1xf32> to vector<512x128xf32>
    %sub3A_43 = arith.subf %add3A_37, %sub3A_42 : vector<512x128xf32>
    %sub3A_44 = vector.broadcast %log3A : vector<512x1xf32> to vector<512x128xf32>
    %sub3A_45 = arith.subf %sub3A_43, %sub3A_44 : vector<512x128xf32>
    %swap3A = arith.constant 0 : index
    %swap3A_46 = arith.constant 0 : index
    %swap3A_47 = vector.load %arg10[%swap3A, %swap3A_46] : memref<512x128xf32, #tpu.memory_space<vmem>>, vector<512x128xf32>
    tpu.vector_store %arg10[%swap3A, %swap3A_46], %sub3A_45 {strides = array<i32>} : memref<512x128xf32, #tpu.memory_space<vmem>>, vector<512x128xf32>,
    return
  }
  func.func @transform_0(%arg0: i32) -> (i32, i32) {
    %c0_i32 = arith.constant 0 : i32
    %c0_i32_0 = arith.constant 0 : i32
    return %arg0, %c0_i32 : i32, i32
  }
  func.func @transform_1(%arg0: i32) -> (i32, i32) {
    %add3A = arith.constant 20 : i32
    %add3A_0 = arith.addi %arg0, %add3A : i32
    %c0_i32 = arith.constant 0 : i32
    %c0_i32_1 = arith.constant 0 : i32
    return %add3A_0, %c0_i32 : i32, i32
  }
  func.func @transform_2(%arg0: i32) -> (i32, i32) {
    %c0_i32 = arith.constant 0 : i32
    %c0_i32_0 = arith.constant 0 : i32
    return %arg0, %c0_i32 : i32, i32
  }
  func.func @transform_3(%arg0: i32) -> (i32, i32) {
    %c0_i32 = arith.constant 0 : i32
    %c0_i32_0 = arith.constant 0 : i32
    return %arg0, %c0_i32 : i32, i32
  }
  func.func @transform_4(%arg0: i32) -> (i32, i32) {
    %c0_i32 = arith.constant 0 : i32
    %c0_i32_0 = arith.constant 0 : i32
    return %arg0, %c0_i32 : i32, i32
  }
  func.func @transform_5(%arg0: i32) -> (i32, i32) {
    %c0_i32 = arith.constant 0 : i32
    %c0_i32_0 = arith.constant 0 : i32
    %c0_i32_1 = arith.constant 0 : i32
    return %c0_i32, %c0_i32_0 : i32, i32
  }
  func.func @transform_6(%arg0: i32) -> (i32, i32) {
    %c0_i32 = arith.constant 0 : i32
    %c0_i32_0 = arith.constant 0 : i32
    %c0_i32_1 = arith.constant 0 : i32
    return %c0_i32, %c0_i32_0 : i32, i32
  }
  func.func @transform_7(%arg0: i32) -> (i32, i32) {
    %c0_i32 = arith.constant 0 : i32
    %c0_i32_0 = arith.constant 0 : i32
    %c0_i32_1 = arith.constant 0 : i32
    return %c0_i32, %c0_i32_0 : i32, i32
  }
  func.func @transform_8(%arg0: i32) -> (i32, i32) {
    %c0_i32 = arith.constant 0 : i32
    %c0_i32_0 = arith.constant 0 : i32
    %c0_i32_1 = arith.constant 0 : i32
    return %c0_i32, %c0_i32_0 : i32, i32
  }
  func.func @transform_9(%arg0: i32) -> (i32, i32) {
    %c0_i32 = arith.constant 0 : i32
    %c0_i32_0 = arith.constant 0 : i32
    return %arg0, %c0_i32 : i32, i32
  }
}

</mosaic_0001>

<sc_bundles>
// kernel: kernel.12.cloned.1.call-start
scs
__scs_entry_jumppad:
0x0: {  	(pc) =	sbr.rel $0x88, $3  }
0x1: {  	(tag) =	ssettag $0x0;
	lr =	simm.s32 $0x1  }
0x2: {  	[smem:$0x3F94] =	sst lr;
	_ =	strace $0xD0000000  }
0x3: {  	_ = 	snop  }
0x4: {  	_ = 	snop  }
0x5: {  	_ = 	snop  }
0x6: {  	_ = 	snop  }
0x7: {  	_ = 	snop  }
__scs_overlays_trampoline_lowered:
0x8: {  	[smem:$0x3FA3] =	sst s0  }
0x9: {  	[smem:$0x3FA4] =	sst s1  }
0xa: {  	[smem:$0x3FA5] =	sst s2  }
0xb: {  	[smem:$0x3FA6] =	sst s3  }
0xc: {  	[smem:$0x3FA7] =	sst s4  }
0xd: {  	[smem:$0x3FA8] =	sst s5  }
0xe: {  	[smem:$0x3FA9] =	sst s6  }
0xf: {  	[smem:$0x3FAA] =	sst s7  }
0x10: {  	[smem:$0x3FAB] =	sst s8  }
0x11: {  	[smem:$0x3FAC] =	sst s9;
	s0 =	simm.s32 @!p0 $0x0  }
0x12: {  	s1 =	sld [smem:$0x3F92];
	s0 =	simm.s32 @p0 $0x1  }
0x13: {  	[smem:$0x3FAD] =	sst s0;
	s0 =	simm.s32 @!p1 $0x0  }
0x14: {  	s2 =	sld [smem:$0x3F91];
	s0 =	simm.s32 @p1 $0x1  }
0x15: {  	[smem:$0x3FAE] =	sst s0;
	s0 =	simm.s32 @!p2 $0x0  }
0x16: {  	s3 =	sld [smem:$0x3FDB];
	s0 =	simm.s32 @p2 $0x1  }
0x17: {  	s4 =	simm.s32 $0x1BF5;
	[smem:$0x3FB0] =	sst s0  }
0x18: {  	s0 =	sld [smem:$0x3F93];
	_ =	swait.ge [sflag:s4], $0x0  }
0x19: {  	s7 =	sld [smem:$0x3F94]  }
0x1a: {  	s8 =	sadd.s32 $0xFFFFE003, lr  }
0x1b: {  	s9 =	sadd.s32 $0xFFFFFEF7, lr;
	s5 =	simm.s32 $0xFFFFFFFF;
	p2 =	slt.u32 s8, $0xFFFFF086  }
0x1c: {  	p1 =	slt.u32 s9, $0xF7A;
	s5 =	simm.s32 @!p2 $0x0  }
0x1d: {  	s5 =	simm.s32 @p1 $0x1;
	p0 =	seq.s32 s7, s2  }
0x1e: {  	s7 =	smul.u32 @!p0 $0xF7A, s2;
	p2 =	seq.s32 @!p0 s5, $0x0  }
0x1f: {  	s9 =	smul.u32 $0xF7A, s1;
	s8 =	simm.s32 @!p0 $0x1BF5;
	p2 =	por !p2, p0  }
0x20: {  	[sflag:s8] =	ssyncset.s32 @!p0 $0xFFFFF086;
	s6 =	sadd.s32 @!p0 s3, s7;
	s7 =	simm.s32 @!p0 $0x108  }
0x21: {  	s3 =	sadd.s32 s3, s9;
	s6 =	sadd.s32 @!p0 $0x88, s6;
	s7 =	simm.s32 @p2 $0x1082  }
0x22: {  	[simem:s7], [sflag:s8] =	dma.local @!p0 [hbm:s6], $0xF7A  }
0x23: {  	s9 =	sor.u32 $0xD0000000, s2;
	s6 =	simm.s32 $0x108;
	_ =	swait.ge @!p0 [sflag:s8], $0x0  }
0x24: {  	s3 =	sadd.s32 $0x88, s3;
	s6 =	simm.s32 @!p1 $0x1082;
	[sflag:s4] =	ssyncset.s32 $0xFFFFF086  }
0x25: {  	[simem:s6], [sflag:s4] =	dma.local [hbm:s3], $0xF7A  }
0x26: {  	[smem:$0x3F94] =	sst s1;
	(tag) =	ssettag s2;
	_ =	strace s9  }
0x27: {  	s1 =	sld [smem:$0x3FA4]  }
0x28: {  	s2 =	sld [smem:$0x3FA5]  }
0x29: {  	s4 =	sld [smem:$0x3FA7]  }
0x2a: {  	p0 =	seq.s32 s5, $0x0;
	s5 =	sld [smem:$0x3FA8]  }
0x2b: {  	s6 =	sld [smem:$0x3FA9]  }
0x2c: {  	s7 =	sld [smem:$0x3FAA]  }
0x2d: {  	s3 =	simm.s32 $0x108;
	s8 =	sld [smem:$0x3FAB]  }
0x2e: {  	s3 =	simm.s32 @!p0 $0x1082;
	s9 =	sld [smem:$0x3FAC]  }
0x2f: {  	lr =	sadd.s32 s0, s3;
	s0 =	sld [smem:$0x3FA3]  }
0x30: {  	s3 =	sld [smem:$0x3FA6]  }
0x31: {  	[smem:$0x3FAF] =	sst s10  }
0x32: {  	s10 =	sld [smem:$0x3FAD];
	_ =	sdelay $0x3  }
0x33: {  	p0 =	seq.s32 s10, $0x1;
	s10 =	sld [smem:$0x3FAF];
	_ =	sdelay $0x3  }
0x34: {  	[smem:$0x3FAF] =	sst s10  }
0x35: {  	s10 =	sld [smem:$0x3FAE];
	_ =	sdelay $0x3  }
0x36: {  	p1 =	seq.s32 s10, $0x1;
	s10 =	sld [smem:$0x3FAF];
	_ =	sdelay $0x3  }
0x37: {  	[smem:$0x3FAF] =	sst s10  }
0x38: {  	s10 =	sld [smem:$0x3FB0]  }
0x39: {  	_ = 	snop;
	(pc) =	sbr.ind lr, $3  }
0x3a: {  	_ = 	snop  }
0x3b: {  	_ = 	snop  }
0x3c: {  	p2 =	seq.s32 s10, $0x1;
	s10 =	sld [smem:$0x3FAF]  }
0x3d: {  	_ =	shalt  }
0x3e: {  	_ =	shalt  }
0x3f: {  	_ =	shalt  }
0x40: {  	_ =	shalt  }
0x41: {  	_ =	shalt  }
0x42: {  	_ =	shalt  }
0x43: {  	_ =	shalt  }
0x44: {  	_ =	shalt  }
0x45: {  	_ =	shalt  }
0x46: {  	_ =	shalt  }
0x47: {  	_ =	shalt  }
0x48: {  	_ =	shalt  }
0x49: {  	_ =	shalt  }
0x4a: {  	_ =	shalt  }
0x4b: {  	_ =	shalt  }
0x4c: {  	_ =	shalt  }
0x4d: {  	_ =	shalt  }
0x4e: {  	_ =	shalt  }
0x4f: {  	_ =	shalt  }
0x50: {  	_ =	shalt  }
0x51: {  	_ =	shalt  }
0x52: {  	_ =	shalt  }
0x53: {  	_ =	shalt  }
0x54: {  	_ =	shalt  }
0x55: {  	_ =	shalt  }
0x56: {  	_ =	shalt  }
0x57: {  	_ =	shalt  }
0x58: {  	_ =	shalt  }
0x59: {  	_ =	shalt  }
0x5a: {  	_ =	shalt  }
0x5b: {  	_ =	shalt  }
0x5c: {  	_ =	shalt  }
0x5d: {  	_ =	shalt  }
0x5e: {  	_ =	shalt  }
0x5f: {  	_ =	shalt  }
0x60: {  	_ =	shalt  }
0x61: {  	_ =	shalt  }
0x62: {  	_ =	shalt  }
0x63: {  	_ =	shalt  }
0x64: {  	_ =	shalt  }
0x65: {  	_ =	shalt  }
0x66: {  	_ =	shalt  }
0x67: {  	_ =	shalt  }
0x68: {  	_ =	shalt  }
0x69: {  	_ =	shalt  }
0x6a: {  	_ =	shalt  }
0x6b: {  	_ =	shalt  }
0x6c: {  	_ =	shalt  }
0x6d: {  	_ =	shalt  }
0x6e: {  	_ =	shalt  }
0x6f: {  	_ =	shalt  }
0x70: {  	_ =	shalt  }
0x71: {  	_ =	shalt  }
0x72: {  	_ =	shalt  }
0x73: {  	_ =	shalt  }
0x74: {  	_ =	shalt  }
0x75: {  	_ =	shalt  }
0x76: {  	_ =	shalt  }
0x77: {  	_ =	shalt  }
0x78: {  	_ =	shalt  }
0x79: {  	_ =	shalt  }
0x7a: {  	_ =	shalt  }
0x7b: {  	_ =	shalt  }
0x7c: {  	_ =	shalt  }
0x7d: {  	_ =	shalt  }
0x7e: {  	_ =	shalt  }
0x7f: {  	_ =	shalt  }
0x80: {  	_ =	shalt  }
0x81: {  	_ =	shalt  }
0x82: {  	_ =	shalt  }
0x83: {  	_ =	shalt  }
0x84: {  	_ =	shalt  }
0x85: {  	_ =	shalt  }
0x86: {  	_ =	shalt  }
0x87: {  	_ =	shalt  }
.Lfunc_end0:
.L_simem_size_0:
called_computation.1_lowered:
.L_overlay_start_0:
0x88: {  	s2 =	sld [smem:$0x3FD9]  }
0x89: {  	s3 =	sld [smem:$0x3FFE];
	_ =	sdelay $0x1  }
0x8a: {  	s1 =	srdreg.scid  }
0x8b: {  	s0 =	sand.u32 $0x1, s1  }
0x8c: {  	s16 =	sshll.u32 s0, $0xA;
	s2 =	sadd.s32 s3, s2  }
0x8d: {  	s2 =	sadd.s32 s2, s16  }
0x8e: {  	[smem:$0x3FBB] =	sst s2  }
0x8f: {  	_ = 	snop  }
0x90: {  	(tm) =	ssettm $0x1  }
0x91: {  	s17 =	sld [smem:$0x3FFB];
	_ =	sdelay $0x3  }
0x92: {  	_ =	strace s17  }
0x93: {  	s2 =	sld [smem:$0x3FFC];
	_ =	sdelay $0x3  }
0x94: {  	_ =	strace s2  }
0x95: {  	s2 =	sld [smem:$0x3FFD];
	_ =	sdelay $0x3  }
0x96: {  	_ =	strace s2  }
0x97: {  	_ =	strace $0x8FFFFFFF  }
0x98: {  	s18 =	sld [smem:$0x3FDB];
	_ =	sdelay $0x1  }
0x99: {  	s19 =	simm.s32 $_scs_section_size  }
0x9a: {  	s4 =	simm.s32 $_size__tile_overlayer_lowered;
	s5 =	simm.s32 $_tile_overlayer_lowered  }
0x9b: {  	s22 =	simm.s32 $0x1BFF;
	s21 =	sshll.u32 s5, $0x1;
	s2 =	sadd.s32 s19, s18  }
0x9c: {  	s6 =	simm.s32 $0x0;
	s20 =	sshll.u32 s4, $0x1;
	s4 =	sadd.s32 s21, s2  }
0x9d: {  	[timem:s6], [sflag:s22] =	dma.local [hbm:s4], s20  }
0x9e: {  	_ =	swait.ge [sflag:s22], s20  }
0x9f: {  	s3 =	ssub.s32 $0x0, s20;
	[sflag:s22] =	ssyncset.done $0x0  }
0xa0: {  	[sflag:s22] =	ssyncadd.s32 s3;
	_ =	sdelay $0x1  }
0xa1: {  	s23 =	simm.s32 $0x1B8B  }
0xa2: {  	_ =	swait.ge [sflag:s23], $0x1  }
0xa3: {  	[sflag:s23] =	ssyncset.done $0x0  }
0xa4: {  	s25 =	simm.s32 $0x1B8E;
	s24 =	sld [smem:$0x3FFE];
	[sflag:s23] =	ssyncadd.s32 $0xFFFFFFFF  }
0xa5: {  	s26 =	simm.s32 $execute0_lowered;
	[smem:$0x3FD2] =	sst s25  }
0xa6: {  	s4 =	sshll.u32 s26, $0x1;
	_ =	strace $0x80000049;
	[dreg:$0x1] =	wrdreg $0xFFFFFFFF  }
0xa7: {  	s28 =	simm.s32 $_size_execute0_lowered;
	s2 =	sadd.s32 s2, s4;
	[dreg:$0x0] =	wrdreg $0x0  }
0xa8: {  	s4 =	sshll.u32 s28, $0x1;
	[dreg:$0x2] =	wrdreg s2  }
0xa9: {  	[dreg:$0x3] =	wrdreg s4  }
0xaa: {  	[dreg:$0x4] =	wrdreg $0xC0  }
0xab: {  	_ =	task [dreg:s6], $0x5FFFF  }
0xac: {  	[dreg:$0x1] =	wrdreg $0xFFFFFFFF  }
0xad: {  	[dreg:$0x0] =	wrdreg $0x60  }
0xae: {  	[dreg:$0x2] =	wrdreg s24  }
0xaf: {  	[dreg:$0x3] =	wrdreg $0xA8000  }
0xb0: {  	[dreg:$0x4] =	wrdreg $0x9  }
0xb1: {  	_ =	task.clear_ibuf [dreg:s6], $0x5FFFF;
	_ =	strace $0x90000049  }
0xb2: {  	s29 =	simm.s32 $0x9;
	_ =	strace $0x8000004B  }
0xb3: {  	_ =	swait.ge [sflag:s29], $0x1  }
0xb4: {  	[sflag:s29] =	ssyncadd.s32 $0xFFFFFFFF  }
0xb5: {  	_ =	strace $0x9000004B  }
0xb6: {  	_ =	sfence  }
0xb7: {  	s30 =	sld [smem:$0x0];
	_ =	sdelay $0x2  }
0xb8: {  	s31 =	sshll.u32 s1, $0xD;
	s1 =	sshrl.u32 s1, $0x2  }
0xb9: {  	s3 =	sand.u32 $0x4000, s31;
	s1 =	sadd.s32 s1, s30  }
0xba: {  	s0 =	sor.u32 s3, s0;
	s1 =	sshll.u32 s1, $0x11  }
0xbb: {  	s0 =	sor.u32 s1, s0  }
0xbc: {  	s0 =	sadd.s32 $0x8F2B, s0  }
0xbd: {  	[sflag:s0] =	ssyncadd.remote.s32 $0x1  }
0xbe: {  	_ =	sfence.sel $0xFFFF  }
0xbf: {  	[dreg:$0x0] =	wrdreg $0xFFFFFFFF;
	(pc) =	sbr.abs _section_cstart, $3  }
0xc0: {  	[dreg:$0x1] =	wrdreg $0xFFFFFFFF  }
0xc1: {  	_ =	task.clear_ibuf [dreg:s6], $0x2FFFF;
	_ =	strace $0x9FFFFFFF  }
0xc2: {  	(tm) =	ssettm $0x7FFFFFFF  }
0xc3: {  	_ =	shalt  }
tec
execute0_lowered:
.L_overlay_start_1:
0x0: {  	(tag) =	ssettag $0x1  }
0x1: {  	s1 =	srdreg.scid;
	s5 =	rddreg [dreg:$0x0]  }
0x2: {  	s0 =	stileid.u32;
	s2 =	rddreg [dreg:$0x1];
	s3 =	simm.s32 $0x0  }
0x3: {  	s14 =	simm.s32 $0x1400;
	s15 =	simm.s32 $0x2800;
	s16 =	simm.s32 $0x5  }
0x4: {  	s17 =	simm.s32 $0x1;
	s18 =	simm.s32 $0x2;
	s19 =	simm.s32 $0x80  }
0x5: {  	s20 =	simm.s32 $0x6800;
	s21 =	simm.s32 $0x3;
	s22 =	simm.s32 $0x4  }
0x6: {  	s23 =	simm.s32 $0x2700;
	s24 =	simm.s32 $0x2780;
	s25 =	simm.s32 $0x0  }
0x7: {  	s4 =	sand.u32 $0x1, s1;
	s1 =	rddreg [dreg:$0x2];
	s8 =	smul.u32 $0x2800, s0  }
0x8: {  	s29 =	sshll.u32 s0, $0x1;
	[smem:$0x7FF] =	sst s3;
	s10 =	smul.u32 $0x50000, s0  }
0x9: {  	s6 =	sor.u32 s4, s29;
	s7 =	smul.u32 $0x28000, s4;
	_ =	strace $0x8000004A  }
0xa: {  	s9 =	ssub.s32 $0x2, s4;
	s4 =	sadd.s32 $0x2C00, s5;
	s6 =	smul.u32 $0x280, s6  }
0xb: {  	s30 =	sshrl.u32 s9, $0x1;
	s31 =	sshrl.u32 s10, $0x2;
	s7 =	sadd.s32 s8, s7  }
0xc: {  	s9 =	ssub.s32 s9, s30;
	s6 =	sadd.s32 s6, s5;
	s11 =	sadd.s32 s7, s5  }
0xd: {  	s7 =	sadd.s32 s31, s2;
	s9 =	smax.u32 s9, $0x1;
	s5 =	sadd.s32 $0x9F000, s6  }
0xe: {  	s6 =	sadd.s32 $0xA4000, s6;
	s8 =	sadd.s32 $0x29E00, s11;
	s10 =	sadd.s32 $0x4000, s7  }
0xf: {  	v0 =	vimm.f32 $0.0e+00;
	s11 =	sadd.s32 $0x8000, s7;
	s12 =	sadd.s32 $0xC000, s7;
	s13 =	sadd.s32 $0x10000, s7  }
.LBB2_1:
0x10: {  	[tilespmem:s3], [sflag:$0x1] =	stream.linear.gather [hbm4b:s5+s3], $0x1400, $0x38;
	[tilespmem:$0x1E800] =	vst v63  }
0x11: {  	s26 =	simm.s32 $0x0;
	s28 =	simm.s32 $0x200  }
0x12: {  	[tilespmem:s14], [sflag:$0x2] =	stream.linear.gather [hbm4b:s6+s3], $0x1400, $0x38;
	[tilespmem:$0x1E800] =	vst v63  }
.LBB2_2:
0x13: {  	p0 =	sne.s32 s28, $0xFE00;
	[tilespmem:s26+$0x2870] =	vst v0  }
0x14: {  	[tilespmem:s26+$0x2800] =	vst v0  }
0x15: {  	[tilespmem:s26+$0x2810] =	vst v0  }
.Ltmp0:
0x16: {  	[tilespmem:s26+$0x2820] =	vst v0;
	(pc) =	sbr.rel @p0 .LBB2_2-.Ltmp0, $4  }
0x17: {  	[tilespmem:s26+$0x2830] =	vst v0  }
0x18: {  	[tilespmem:s26+$0x2840] =	vst v0  }
0x19: {  	[tilespmem:s26+$0x2850] =	vst v0  }
0x1a: {  	[tilespmem:s26+$0x2860] =	vst v0;
	s26 =	sshra.s32 s28, $0x2;
	s28 =	sadd.s32 $0x200, s28  }
0x1b: {  	[tilespmem:s26+$0x2870] =	vst v0  }
0x1c: {  	[tilespmem:s26+$0x2800] =	vst v0  }
0x1d: {  	[tilespmem:s26+$0x2810] =	vst v0  }
0x1e: {  	[tilespmem:s26+$0x2820] =	vst v0  }
0x1f: {  	[tilespmem:s26+$0x2830] =	vst v0  }
0x20: {  	[tilespmem:s26+$0x2840] =	vst v0  }
0x21: {  	[tilespmem:s26+$0x2850] =	vst v0  }
0x22: {  	[tilespmem:s26+$0x2860] =	vst v0  }
0x23: {  	[spmem:s7] =	stream.linear.scatter [tilespmem:s15], [sflag:$0x5], $0x4000, $0x38;
	[tilespmem:$0x1E800] =	vst v63  }
0x24: {  	_ =	swait.ge [sflag:s16], $0x4000  }
0x25: {  	[sflag:s16] =	ssyncset.done $0x0  }
0x26: {  	[sflag:s16] =	ssyncadd.s32 $0xFFFFC000  }
0x27: {  	[spmem:s10] =	stream.linear.scatter [tilespmem:s15], [sflag:$0x5], $0x4000, $0x38;
	[tilespmem:$0x1E800] =	vst v63  }
0x28: {  	_ =	swait.ge [sflag:s16], $0x4000  }
0x29: {  	[sflag:s16] =	ssyncset.done $0x0  }
0x2a: {  	[sflag:s16] =	ssyncadd.s32 $0xFFFFC000  }
0x2b: {  	[spmem:s11] =	stream.linear.scatter [tilespmem:s15], [sflag:$0x5], $0x4000, $0x38;
	[tilespmem:$0x1E800] =	vst v63  }
0x2c: {  	_ =	swait.ge [sflag:s16], $0x4000  }
0x2d: {  	[sflag:s16] =	ssyncset.done $0x0  }
0x2e: {  	[sflag:s16] =	ssyncadd.s32 $0xFFFFC000  }
0x2f: {  	[spmem:s12] =	stream.linear.scatter [tilespmem:s15], [sflag:$0x5], $0x4000, $0x38;
	[tilespmem:$0x1E800] =	vst v63  }
0x30: {  	_ =	swait.ge [sflag:s16], $0x4000  }
0x31: {  	[sflag:s16] =	ssyncset.done $0x0  }
0x32: {  	[sflag:s16] =	ssyncadd.s32 $0xFFFFC000  }
0x33: {  	[spmem:s13] =	stream.linear.scatter [tilespmem:s15], [sflag:$0x5], $0x4000, $0x38;
	[tilespmem:$0x1E800] =	vst v63  }
0x34: {  	_ =	swait.ge [sflag:s16], $0x4000  }
0x35: {  	[sflag:s16] =	ssyncset.done $0x0  }
0x36: {  	[sflag:s16] =	ssyncadd.s32 $0xFFFFC000  }
0x37: {  	_ =	swait.ge [sflag:s17], $0x1400  }
0x38: {  	[sflag:s17] =	ssyncset.done $0x0  }
0x39: {  	[sflag:s17] =	ssyncadd.s32 $0xFFFFEC00  }
0x3a: {  	_ =	swait.ge [sflag:s18], $0x1400  }
0x3b: {  	[sflag:s18] =	ssyncset.done $0x0  }
0x3c: {  	[sflag:s18] =	ssyncadd.s32 $0xFFFFEC00  }
0x3d: {  	s31 =	simm.s32 $0x0;
	[bflag:$0x0] =	sbarrier.arrive $0xFFFF  }
0x3e: {  	[tilespmem:s15], [sflag:$0x1] =	stream.indirect.gather [hbm4b:s4+s19], $0x80, s31, s19, $0xb8;
	[tilespmem:$0x1E800] =	vst v63  }
0x3f: {  	_ = 	snop  }
0x40: {  	[tilespmem:s20], [sflag:$0x2] =	stream.indirect.gather [hbm4b:s4+s19], $0x80, s19, s19, $0xb8;
	[tilespmem:$0x1E800] =	vst v63  }
0x41: {  	_ =	swait.ge [sflag:s17], $0x4000  }
0x42: {  	[sflag:s17] =	ssyncset.done $0x0  }
0x43: {  	s29 =	simm.s32 $0x1400;
	[sflag:s17] =	ssyncadd.s32 $0xFFFFC000  }
0x44: {  	[spmem:s2] =	stream.indirect.scatter.add.f32 [tilespmem:s15], [sflag:$0x3], $0x80, s29, s19, $0xb8;
	[tilespmem:$0x1E800] =	vst v63  }
0x45: {  	_ =	swait.ge [sflag:s18], $0x4000  }
0x46: {  	[sflag:s18] =	ssyncset.done $0x0  }
0x47: {  	s30 =	simm.s32 $0x1480;
	[sflag:s18] =	ssyncadd.s32 $0xFFFFC000  }
0x48: {  	[spmem:s2] =	stream.indirect.scatter.add.f32 [tilespmem:s20], [sflag:$0x4], $0x80, s30, s19, $0xb8;
	[tilespmem:$0x1E800] =	vst v63  }
0x49: {  	_ =	swait.ge [sflag:s21], $0x4000  }
0x4a: {  	[sflag:s21] =	ssyncset.done $0x0  }
0x4b: {  	s31 =	simm.s32 $0x100;
	[sflag:s21] =	ssyncadd.s32 $0xFFFFC000  }
0x4c: {  	[tilespmem:s15], [sflag:$0x1] =	stream.indirect.gather [hbm4b:s4+s19], $0x80, s31, s19, $0xb8;
	[tilespmem:$0x1E800] =	vst v63  }
0x4d: {  	_ =	swait.ge [sflag:s22], $0x4000  }
0x4e: {  	[sflag:s22] =	ssyncset.done $0x0  }
0x4f: {  	s26 =	simm.s32 $0x400;
	s28 =	simm.s32 $0x180;
	[sflag:s22] =	ssyncadd.s32 $0xFFFFC000  }
.LBB2_4:
0x50: {  	[tilespmem:s20], [sflag:$0x2] =	stream.indirect.gather [hbm4b:s4+s19], $0x80, s28, s19, $0xb8;
	[tilespmem:$0x1E800] =	vst v63  }
0x51: {  	s28 =	smov.u32 s26  }
0x52: {  	p0 =	sne.s32 s26, $0x4800;
	s26 =	sadd.s32 $0x400, s26;
	_ =	swait.ge [sflag:s17], $0x4000  }
0x53: {  	s28 =	sshra.s32 s28, $0x2;
	[sflag:s17] =	ssyncset.done $0x0  }
0x54: {  	s29 =	sadd.s32 $0x1400, s28;
	[sflag:s17] =	ssyncadd.s32 $0xFFFFC000  }
0x55: {  	[spmem:s2] =	stream.indirect.scatter.add.f32 [tilespmem:s15], [sflag:$0x3], $0x80, s29, s19, $0xb8;
	[tilespmem:$0x1E800] =	vst v63  }
0x56: {  	_ =	swait.ge [sflag:s18], $0x4000  }
0x57: {  	[sflag:s18] =	ssyncset.done $0x0  }
0x58: {  	s29 =	sadd.s32 $0x1480, s28;
	[sflag:s18] =	ssyncadd.s32 $0xFFFFC000  }
0x59: {  	[spmem:s2] =	stream.indirect.scatter.add.f32 [tilespmem:s20], [sflag:$0x4], $0x80, s29, s19, $0xb8;
	[tilespmem:$0x1E800] =	vst v63  }
0x5a: {  	_ =	swait.ge [sflag:s21], $0x4000  }
0x5b: {  	[sflag:s21] =	ssyncset.done $0x0  }
.Ltmp1:
0x5c: {  	s29 =	sadd.s32 $0x100, s28;
	[sflag:s21] =	ssyncadd.s32 $0xFFFFC000;
	(pc) =	sbr.rel @p0 .LBB2_4-.Ltmp1, $4  }
0x5d: {  	[tilespmem:s15], [sflag:$0x1] =	stream.indirect.gather [hbm4b:s4+s19], $0x80, s29, s19, $0xb8;
	[tilespmem:$0x1E800] =	vst v63  }
0x5e: {  	_ =	swait.ge [sflag:s22], $0x4000  }
0x5f: {  	[sflag:s22] =	ssyncset.done $0x0  }
0x60: {  	s28 =	sadd.s32 $0x180, s28;
	[sflag:s22] =	ssyncadd.s32 $0xFFFFC000  }
0x61: {  	[tilespmem:s20], [sflag:$0x2] =	stream.indirect.gather [hbm4b:s4+s19], $0x80, s28, s19, $0xb8;
	[tilespmem:$0x1E800] =	vst v63  }
0x62: {  	_ =	swait.ge [sflag:s17], $0x4000  }
0x63: {  	[sflag:s17] =	ssyncset.done $0x0  }
0x64: {  	[sflag:s17] =	ssyncadd.s32 $0xFFFFC000  }
0x65: {  	[spmem:s2] =	stream.indirect.scatter.add.f32 [tilespmem:s15], [sflag:$0x3], $0x80, s23, s19, $0xb8;
	[tilespmem:$0x1E800] =	vst v63  }
0x66: {  	_ =	swait.ge [sflag:s18], $0x4000  }
0x67: {  	[sflag:s18] =	ssyncset.done $0x0  }
0x68: {  	[sflag:s18] =	ssyncadd.s32 $0xFFFFC000  }
0x69: {  	[spmem:s2] =	stream.indirect.scatter.add.f32 [tilespmem:s20], [sflag:$0x4], $0x80, s24, s19, $0xb8;
	[tilespmem:$0x1E800] =	vst v63  }
0x6a: {  	_ =	swait.ge [sflag:s21], $0x4000  }
0x6b: {  	[sflag:s21] =	ssyncset.done $0x0  }
0x6c: {  	[sflag:s21] =	ssyncadd.s32 $0xFFFFC000  }
0x6d: {  	_ =	swait.ge [sflag:s22], $0x4000  }
0x6e: {  	s26 =	sshll.u32 s0, $0x6;
	s25 =	sadd.s32 $0x1, s25;
	[sflag:s22] =	ssyncset.done $0x0  }
0x6f: {  	s31 =	sshrl.u32 s7, $0x3;
	p0 =	sne.s32 s25, s9;
	[sflag:s22] =	ssyncadd.s32 $0xFFFFC000  }
.Ltmp2:
0x70: {  	s26 =	sor.u32 $0x1C05, s26;
	[bflag:$0x0] =	sbarrier.arrive $0xFFFF;
	(pc) =	sbr.rel @p0 .LBB2_1-.Ltmp2, $4  }
0x71: {  	[hbm:s8], [sflag:s26] =	dma.local [spmem:s31], $0x2800  }
0x72: {  	_ =	swait.ge [sflag:s16], $0x2800  }
0x73: {  	[sflag:s16] =	ssyncset.done $0x0  }
0x74: {  	[sflag:s16] =	ssyncadd.s32 $0xFFFFD800  }
0x75: {  	_ =	sfence.sel $0x180000  }
0x76: {  	[bflag:$0x0] =	sbarrier.arrive $0xFFFF  }
0x77: {  	p0 =	sne.s32 s0, $0x0;
	_ =	strace $0x9000004A  }
0x78: {  	s0 =	sadd.s32 @!p0 $0x100000, s1;
	[bflag:$0x2] =	sbarrier.arrive $0xFFFF  }
0x79: {  	[sflag:s0] =	ssyncadd.tile.s32 @!p0 $0x1;
	_ =	shalt  }
.Lfunc_end2:
_tile_overlayer_lowered:
.L_overlay_start_2:
0x7a: {  	(tag) =	ssettag $0x2  }
0x7b: {  	s0 =	rddreg [dreg:$0x0];
	s2 =	stileid.u32  }
0x7c: {  	s1 =	rddreg [dreg:$0x1];
	p0 =	sne.s32 s2, $0x0  }
0x7d: {  	s3 =	rddreg [dreg:$0x2];
	[bflag:$0x3] =	sbarrier.arrive $0xFFFF;
	s2 =	simm.s32 @!p0 $0x1C05  }
0x7e: {  	[timem:s3], [sflag:s2] =	dma.local @!p0 [hbm:s0], s1  }
0x7f: {  	s0 =	simm.s32 @!p0 $0x5  }
0x80: {  	_ =	swait.ge @!p0 [sflag:s0], s1  }
0x81: {  	s1 =	ssub.s32 @!p0 $0x0, s1;
	[sflag:s0] =	ssyncset.done @!p0 $0x0  }
0x82: {  	[sflag:s0] =	ssyncadd.s32 @!p0 s1  }
0x83: {  	[bflag:$0x3] =	sbarrier.arrive $0xFFFF  }
0x84: {  	_ =	shalt  }

// kernel: kernel.15.cloned.1.call-start
scs
__scs_entry_jumppad:
0x0: {  	(pc) =	sbr.rel $0x88, $3  }
0x1: {  	(tag) =	ssettag $0x0;
	lr =	simm.s32 $0x1  }
0x2: {  	[smem:$0x3F94] =	sst lr;
	_ =	strace $0xD0000000  }
0x3: {  	_ = 	snop  }
0x4: {  	_ = 	snop  }
0x5: {  	_ = 	snop  }
0x6: {  	_ = 	snop  }
0x7: {  	_ = 	snop  }
__scs_overlays_trampoline_lowered:
0x8: {  	[smem:$0x3FA3] =	sst s0  }
0x9: {  	[smem:$0x3FA4] =	sst s1  }
0xa: {  	[smem:$0x3FA5] =	sst s2  }
0xb: {  	[smem:$0x3FA6] =	sst s3  }
0xc: {  	[smem:$0x3FA7] =	sst s4  }
0xd: {  	[smem:$0x3FA8] =	sst s5  }
0xe: {  	[smem:$0x3FA9] =	sst s6  }
0xf: {  	[smem:$0x3FAA] =	sst s7  }
0x10: {  	[smem:$0x3FAB] =	sst s8  }
0x11: {  	[smem:$0x3FAC] =	sst s9;
	s0 =	simm.s32 @!p0 $0x0  }
0x12: {  	s1 =	sld [smem:$0x3F92];
	s0 =	simm.s32 @p0 $0x1  }
0x13: {  	[smem:$0x3FAD] =	sst s0;
	s0 =	simm.s32 @!p1 $0x0  }
0x14: {  	s2 =	sld [smem:$0x3F91];
	s0 =	simm.s32 @p1 $0x1  }
0x15: {  	[smem:$0x3FAE] =	sst s0;
	s0 =	simm.s32 @!p2 $0x0  }
0x16: {  	s3 =	sld [smem:$0x3FDB];
	s0 =	simm.s32 @p2 $0x1  }
0x17: {  	s4 =	simm.s32 $0x1BF5;
	[smem:$0x3FB0] =	sst s0  }
0x18: {  	s0 =	sld [smem:$0x3F93];
	_ =	swait.ge [sflag:s4], $0x0  }
0x19: {  	s7 =	sld [smem:$0x3F94]  }
0x1a: {  	s8 =	sadd.s32 $0xFFFFE003, lr  }
0x1b: {  	s9 =	sadd.s32 $0xFFFFFEF7, lr;
	s5 =	simm.s32 $0xFFFFFFFF;
	p2 =	slt.u32 s8, $0xFFFFF086  }
0x1c: {  	p1 =	slt.u32 s9, $0xF7A;
	s5 =	simm.s32 @!p2 $0x0  }
0x1d: {  	s5 =	simm.s32 @p1 $0x1;
	p0 =	seq.s32 s7, s2  }
0x1e: {  	s7 =	smul.u32 @!p0 $0xF7A, s2;
	p2 =	seq.s32 @!p0 s5, $0x0  }
0x1f: {  	s9 =	smul.u32 $0xF7A, s1;
	s8 =	simm.s32 @!p0 $0x1BF5;
	p2 =	por !p2, p0  }
0x20: {  	[sflag:s8] =	ssyncset.s32 @!p0 $0xFFFFF086;
	s6 =	sadd.s32 @!p0 s3, s7;
	s7 =	simm.s32 @!p0 $0x108  }
0x21: {  	s3 =	sadd.s32 s3, s9;
	s6 =	sadd.s32 @!p0 $0x88, s6;
	s7 =	simm.s32 @p2 $0x1082  }
0x22: {  	[simem:s7], [sflag:s8] =	dma.local @!p0 [hbm:s6], $0xF7A  }
0x23: {  	s9 =	sor.u32 $0xD0000000, s2;
	s6 =	simm.s32 $0x108;
	_ =	swait.ge @!p0 [sflag:s8], $0x0  }
0x24: {  	s3 =	sadd.s32 $0x88, s3;
	s6 =	simm.s32 @!p1 $0x1082;
	[sflag:s4] =	ssyncset.s32 $0xFFFFF086  }
0x25: {  	[simem:s6], [sflag:s4] =	dma.local [hbm:s3], $0xF7A  }
0x26: {  	[smem:$0x3F94] =	sst s1;
	(tag) =	ssettag s2;
	_ =	strace s9  }
0x27: {  	s1 =	sld [smem:$0x3FA4]  }
0x28: {  	s2 =	sld [smem:$0x3FA5]  }
0x29: {  	s4 =	sld [smem:$0x3FA7]  }
0x2a: {  	p0 =	seq.s32 s5, $0x0;
	s5 =	sld [smem:$0x3FA8]  }
0x2b: {  	s6 =	sld [smem:$0x3FA9]  }
0x2c: {  	s7 =	sld [smem:$0x3FAA]  }
0x2d: {  	s3 =	simm.s32 $0x108;
	s8 =	sld [smem:$0x3FAB]  }
0x2e: {  	s3 =	simm.s32 @!p0 $0x1082;
	s9 =	sld [smem:$0x3FAC]  }
0x2f: {  	lr =	sadd.s32 s0, s3;
	s0 =	sld [smem:$0x3FA3]  }
0x30: {  	s3 =	sld [smem:$0x3FA6]  }
0x31: {  	[smem:$0x3FAF] =	sst s10  }
0x32: {  	s10 =	sld [smem:$0x3FAD];
	_ =	sdelay $0x3  }
0x33: {  	p0 =	seq.s32 s10, $0x1;
	s10 =	sld [smem:$0x3FAF];
	_ =	sdelay $0x3  }
0x34: {  	[smem:$0x3FAF] =	sst s10  }
0x35: {  	s10 =	sld [smem:$0x3FAE];
	_ =	sdelay $0x3  }
0x36: {  	p1 =	seq.s32 s10, $0x1;
	s10 =	sld [smem:$0x3FAF];
	_ =	sdelay $0x3  }
0x37: {  	[smem:$0x3FAF] =	sst s10  }
0x38: {  	s10 =	sld [smem:$0x3FB0]  }
0x39: {  	_ = 	snop;
	(pc) =	sbr.ind lr, $3  }
0x3a: {  	_ = 	snop  }
0x3b: {  	_ = 	snop  }
0x3c: {  	p2 =	seq.s32 s10, $0x1;
	s10 =	sld [smem:$0x3FAF]  }
0x3d: {  	_ =	shalt  }
0x3e: {  	_ =	shalt  }
0x3f: {  	_ =	shalt  }
0x40: {  	_ =	shalt  }
0x41: {  	_ =	shalt  }
0x42: {  	_ =	shalt  }
0x43: {  	_ =	shalt  }
0x44: {  	_ =	shalt  }
0x45: {  	_ =	shalt  }
0x46: {  	_ =	shalt  }
0x47: {  	_ =	shalt  }
0x48: {  	_ =	shalt  }
0x49: {  	_ =	shalt  }
0x4a: {  	_ =	shalt  }
0x4b: {  	_ =	shalt  }
0x4c: {  	_ =	shalt  }
0x4d: {  	_ =	shalt  }
0x4e: {  	_ =	shalt  }
0x4f: {  	_ =	shalt  }
0x50: {  	_ =	shalt  }
0x51: {  	_ =	shalt  }
0x52: {  	_ =	shalt  }
0x53: {  	_ =	shalt  }
0x54: {  	_ =	shalt  }
0x55: {  	_ =	shalt  }
0x56: {  	_ =	shalt  }
0x57: {  	_ =	shalt  }
0x58: {  	_ =	shalt  }
0x59: {  	_ =	shalt  }
0x5a: {  	_ =	shalt  }
0x5b: {  	_ =	shalt  }
0x5c: {  	_ =	shalt  }
0x5d: {  	_ =	shalt  }
0x5e: {  	_ =	shalt  }
0x5f: {  	_ =	shalt  }
0x60: {  	_ =	shalt  }
0x61: {  	_ =	shalt  }
0x62: {  	_ =	shalt  }
0x63: {  	_ =	shalt  }
0x64: {  	_ =	shalt  }
0x65: {  	_ =	shalt  }
0x66: {  	_ =	shalt  }
0x67: {  	_ =	shalt  }
0x68: {  	_ =	shalt  }
0x69: {  	_ =	shalt  }
0x6a: {  	_ =	shalt  }
0x6b: {  	_ =	shalt  }
0x6c: {  	_ =	shalt  }
0x6d: {  	_ =	shalt  }
0x6e: {  	_ =	shalt  }
0x6f: {  	_ =	shalt  }
0x70: {  	_ =	shalt  }
0x71: {  	_ =	shalt  }
0x72: {  	_ =	shalt  }
0x73: {  	_ =	shalt  }
0x74: {  	_ =	shalt  }
0x75: {  	_ =	shalt  }
0x76: {  	_ =	shalt  }
0x77: {  	_ =	shalt  }
0x78: {  	_ =	shalt  }
0x79: {  	_ =	shalt  }
0x7a: {  	_ =	shalt  }
0x7b: {  	_ =	shalt  }
0x7c: {  	_ =	shalt  }
0x7d: {  	_ =	shalt  }
0x7e: {  	_ =	shalt  }
0x7f: {  	_ =	shalt  }
0x80: {  	_ =	shalt  }
0x81: {  	_ =	shalt  }
0x82: {  	_ =	shalt  }
0x83: {  	_ =	shalt  }
0x84: {  	_ =	shalt  }
0x85: {  	_ =	shalt  }
0x86: {  	_ =	shalt  }
0x87: {  	_ =	shalt  }
.Lfunc_end0:
.L_simem_size_0:
called_computation.2_lowered:
.L_overlay_start_0:
0x88: {  	s2 =	sld [smem:$0x3FD9]  }
0x89: {  	s3 =	sld [smem:$0x3FFE];
	_ =	sdelay $0x1  }
0x8a: {  	s1 =	srdreg.scid  }
0x8b: {  	s0 =	sand.u32 $0x1, s1  }
0x8c: {  	s16 =	sshll.u32 s0, $0xA;
	s2 =	sadd.s32 s3, s2  }
0x8d: {  	s2 =	sadd.s32 s2, s16  }
0x8e: {  	[smem:$0x3FBB] =	sst s2  }
0x8f: {  	_ = 	snop  }
0x90: {  	(tm) =	ssettm $0x1  }
0x91: {  	s17 =	sld [smem:$0x3FFB];
	_ =	sdelay $0x3  }
0x92: {  	_ =	strace s17  }
0x93: {  	s2 =	sld [smem:$0x3FFC];
	_ =	sdelay $0x3  }
0x94: {  	_ =	strace s2  }
0x95: {  	s2 =	sld [smem:$0x3FFD];
	_ =	sdelay $0x3  }
0x96: {  	_ =	strace s2  }
0x97: {  	_ =	strace $0x8FFFFFFF  }
0x98: {  	s18 =	sld [smem:$0x3FDB];
	_ =	sdelay $0x1  }
0x99: {  	s19 =	simm.s32 $_scs_section_size  }
0x9a: {  	s4 =	simm.s32 $_size__tile_overlayer_lowered;
	s5 =	simm.s32 $_tile_overlayer_lowered  }
0x9b: {  	s22 =	simm.s32 $0x1BFF;
	s21 =	sshll.u32 s5, $0x1;
	s2 =	sadd.s32 s19, s18  }
0x9c: {  	s6 =	simm.s32 $0x0;
	s20 =	sshll.u32 s4, $0x1;
	s4 =	sadd.s32 s21, s2  }
0x9d: {  	[timem:s6], [sflag:s22] =	dma.local [hbm:s4], s20  }
0x9e: {  	_ =	swait.ge [sflag:s22], s20  }
0x9f: {  	s3 =	ssub.s32 $0x0, s20;
	[sflag:s22] =	ssyncset.done $0x0  }
0xa0: {  	[sflag:s22] =	ssyncadd.s32 s3;
	_ =	sdelay $0x1  }
0xa1: {  	s23 =	simm.s32 $0x1B8B  }
0xa2: {  	_ =	swait.ge [sflag:s23], $0x1  }
0xa3: {  	[sflag:s23] =	ssyncset.done $0x0  }
0xa4: {  	s25 =	simm.s32 $0x1B8E;
	s24 =	sld [smem:$0x3FFE];
	[sflag:s23] =	ssyncadd.s32 $0xFFFFFFFF  }
0xa5: {  	s26 =	simm.s32 $execute0_lowered;
	[smem:$0x3FD2] =	sst s25  }
0xa6: {  	s4 =	sshll.u32 s26, $0x1;
	_ =	strace $0x8000004C;
	[dreg:$0x1] =	wrdreg $0xFFFFFFFF  }
0xa7: {  	s28 =	simm.s32 $_size_execute0_lowered;
	s2 =	sadd.s32 s2, s4;
	[dreg:$0x0] =	wrdreg $0x0  }
0xa8: {  	s4 =	sshll.u32 s28, $0x1;
	[dreg:$0x2] =	wrdreg s2  }
0xa9: {  	[dreg:$0x3] =	wrdreg s4  }
0xaa: {  	[dreg:$0x4] =	wrdreg $0xC0  }
0xab: {  	_ =	task [dreg:s6], $0x5FFFF  }
0xac: {  	[dreg:$0x1] =	wrdreg $0xFFFFFFFF  }
0xad: {  	[dreg:$0x0] =	wrdreg $0x60  }
0xae: {  	[dreg:$0x2] =	wrdreg s24  }
0xaf: {  	[dreg:$0x3] =	wrdreg $0xA8000  }
0xb0: {  	[dreg:$0x4] =	wrdreg $0x9  }
0xb1: {  	_ =	task.clear_ibuf [dreg:s6], $0x5FFFF;
	_ =	strace $0x9000004C  }
0xb2: {  	s29 =	simm.s32 $0x9;
	_ =	strace $0x8000004E  }
0xb3: {  	_ =	swait.ge [sflag:s29], $0x1  }
0xb4: {  	[sflag:s29] =	ssyncadd.s32 $0xFFFFFFFF  }
0xb5: {  	_ =	strace $0x9000004E  }
0xb6: {  	_ =	sfence  }
0xb7: {  	s30 =	sld [smem:$0x0];
	_ =	sdelay $0x2  }
0xb8: {  	s31 =	sshll.u32 s1, $0xD;
	s1 =	sshrl.u32 s1, $0x2  }
0xb9: {  	s3 =	sand.u32 $0x4000, s31;
	s1 =	sadd.s32 s1, s30  }
0xba: {  	s0 =	sor.u32 s3, s0;
	s1 =	sshll.u32 s1, $0x11  }
0xbb: {  	s0 =	sor.u32 s1, s0  }
0xbc: {  	s0 =	sadd.s32 $0x8F2B, s0  }
0xbd: {  	[sflag:s0] =	ssyncadd.remote.s32 $0x1  }
0xbe: {  	_ =	sfence.sel $0xFFFF  }
0xbf: {  	[dreg:$0x0] =	wrdreg $0xFFFFFFFF;
	(pc) =	sbr.abs _section_cstart, $3  }
0xc0: {  	[dreg:$0x1] =	wrdreg $0xFFFFFFFF  }
0xc1: {  	_ =	task.clear_ibuf [dreg:s6], $0x2FFFF;
	_ =	strace $0x9FFFFFFF  }
0xc2: {  	(tm) =	ssettm $0x7FFFFFFF  }
0xc3: {  	_ =	shalt  }
tec
execute0_lowered:
.L_overlay_start_1:
0x0: {  	(tag) =	ssettag $0x1  }
0x1: {  	s1 =	srdreg.scid;
	s5 =	rddreg [dreg:$0x0]  }
0x2: {  	s0 =	stileid.u32;
	s2 =	rddreg [dreg:$0x1];
	s3 =	simm.s32 $0x0  }
0x3: {  	s14 =	simm.s32 $0x1400;
	s15 =	simm.s32 $0x2800;
	s16 =	simm.s32 $0x5  }
0x4: {  	s17 =	simm.s32 $0x1;
	s18 =	simm.s32 $0x2;
	s19 =	simm.s32 $0x80  }
0x5: {  	s20 =	simm.s32 $0x6800;
	s21 =	simm.s32 $0x3;
	s22 =	simm.s32 $0x4  }
0x6: {  	s23 =	simm.s32 $0x2700;
	s24 =	simm.s32 $0x2780;
	s25 =	simm.s32 $0x0  }
0x7: {  	s4 =	sand.u32 $0x1, s1;
	s1 =	rddreg [dreg:$0x2];
	s8 =	smul.u32 $0x2800, s0  }
0x8: {  	s29 =	sshll.u32 s0, $0x1;
	[smem:$0x7FF] =	sst s3;
	s10 =	smul.u32 $0x50000, s0  }
0x9: {  	s6 =	sor.u32 s4, s29;
	s7 =	smul.u32 $0x28000, s4;
	_ =	strace $0x8000004D  }
0xa: {  	s9 =	ssub.s32 $0x2, s4;
	s4 =	sadd.s32 $0x2C00, s5;
	s6 =	smul.u32 $0x280, s6  }
0xb: {  	s30 =	sshrl.u32 s9, $0x1;
	s31 =	sshrl.u32 s10, $0x2;
	s7 =	sadd.s32 s8, s7  }
0xc: {  	s9 =	ssub.s32 s9, s30;
	s6 =	sadd.s32 s6, s5;
	s11 =	sadd.s32 s7, s5  }
0xd: {  	s7 =	sadd.s32 s31, s2;
	s9 =	smax.u32 s9, $0x1;
	s5 =	sadd.s32 $0x9F000, s6  }
0xe: {  	s6 =	sadd.s32 $0xA4000, s6;
	s8 =	sadd.s32 $0xA9000, s11;
	s10 =	sadd.s32 $0x4000, s7  }
0xf: {  	v0 =	vimm.f32 $0.0e+00;
	s11 =	sadd.s32 $0x8000, s7;
	s12 =	sadd.s32 $0xC000, s7;
	s13 =	sadd.s32 $0x10000, s7  }
.LBB2_1:
0x10: {  	[tilespmem:s3], [sflag:$0x1] =	stream.linear.gather [hbm4b:s5+s3], $0x1400, $0x38;
	[tilespmem:$0x1E800] =	vst v63  }
0x11: {  	s26 =	simm.s32 $0x0;
	s28 =	simm.s32 $0x200  }
0x12: {  	[tilespmem:s14], [sflag:$0x2] =	stream.linear.gather [hbm4b:s6+s3], $0x1400, $0x38;
	[tilespmem:$0x1E800] =	vst v63  }
.LBB2_2:
0x13: {  	p0 =	sne.s32 s28, $0xFE00;
	[tilespmem:s26+$0x2870] =	vst v0  }
0x14: {  	[tilespmem:s26+$0x2800] =	vst v0  }
0x15: {  	[tilespmem:s26+$0x2810] =	vst v0  }
.Ltmp0:
0x16: {  	[tilespmem:s26+$0x2820] =	vst v0;
	(pc) =	sbr.rel @p0 .LBB2_2-.Ltmp0, $4  }
0x17: {  	[tilespmem:s26+$0x2830] =	vst v0  }
0x18: {  	[tilespmem:s26+$0x2840] =	vst v0  }
0x19: {  	[tilespmem:s26+$0x2850] =	vst v0  }
0x1a: {  	[tilespmem:s26+$0x2860] =	vst v0;
	s26 =	sshra.s32 s28, $0x2;
	s28 =	sadd.s32 $0x200, s28  }
0x1b: {  	[tilespmem:s26+$0x2870] =	vst v0  }
0x1c: {  	[tilespmem:s26+$0x2800] =	vst v0  }
0x1d: {  	[tilespmem:s26+$0x2810] =	vst v0  }
0x1e: {  	[tilespmem:s26+$0x2820] =	vst v0  }
0x1f: {  	[tilespmem:s26+$0x2830] =	vst v0  }
0x20: {  	[tilespmem:s26+$0x2840] =	vst v0  }
0x21: {  	[tilespmem:s26+$0x2850] =	vst v0  }
0x22: {  	[tilespmem:s26+$0x2860] =	vst v0  }
0x23: {  	[spmem:s7] =	stream.linear.scatter [tilespmem:s15], [sflag:$0x5], $0x4000, $0x38;
	[tilespmem:$0x1E800] =	vst v63  }
0x24: {  	_ =	swait.ge [sflag:s16], $0x4000  }
0x25: {  	[sflag:s16] =	ssyncset.done $0x0  }
0x26: {  	[sflag:s16] =	ssyncadd.s32 $0xFFFFC000  }
0x27: {  	[spmem:s10] =	stream.linear.scatter [tilespmem:s15], [sflag:$0x5], $0x4000, $0x38;
	[tilespmem:$0x1E800] =	vst v63  }
0x28: {  	_ =	swait.ge [sflag:s16], $0x4000  }
0x29: {  	[sflag:s16] =	ssyncset.done $0x0  }
0x2a: {  	[sflag:s16] =	ssyncadd.s32 $0xFFFFC000  }
0x2b: {  	[spmem:s11] =	stream.linear.scatter [tilespmem:s15], [sflag:$0x5], $0x4000, $0x38;
	[tilespmem:$0x1E800] =	vst v63  }
0x2c: {  	_ =	swait.ge [sflag:s16], $0x4000  }
0x2d: {  	[sflag:s16] =	ssyncset.done $0x0  }
0x2e: {  	[sflag:s16] =	ssyncadd.s32 $0xFFFFC000  }
0x2f: {  	[spmem:s12] =	stream.linear.scatter [tilespmem:s15], [sflag:$0x5], $0x4000, $0x38;
	[tilespmem:$0x1E800] =	vst v63  }
0x30: {  	_ =	swait.ge [sflag:s16], $0x4000  }
0x31: {  	[sflag:s16] =	ssyncset.done $0x0  }
0x32: {  	[sflag:s16] =	ssyncadd.s32 $0xFFFFC000  }
0x33: {  	[spmem:s13] =	stream.linear.scatter [tilespmem:s15], [sflag:$0x5], $0x4000, $0x38;
	[tilespmem:$0x1E800] =	vst v63  }
0x34: {  	_ =	swait.ge [sflag:s16], $0x4000  }
0x35: {  	[sflag:s16] =	ssyncset.done $0x0  }
0x36: {  	[sflag:s16] =	ssyncadd.s32 $0xFFFFC000  }
0x37: {  	_ =	swait.ge [sflag:s17], $0x1400  }
0x38: {  	[sflag:s17] =	ssyncset.done $0x0  }
0x39: {  	[sflag:s17] =	ssyncadd.s32 $0xFFFFEC00  }
0x3a: {  	_ =	swait.ge [sflag:s18], $0x1400  }
0x3b: {  	[sflag:s18] =	ssyncset.done $0x0  }
0x3c: {  	[sflag:s18] =	ssyncadd.s32 $0xFFFFEC00  }
0x3d: {  	s31 =	simm.s32 $0x0;
	[bflag:$0x0] =	sbarrier.arrive $0xFFFF  }
0x3e: {  	[tilespmem:s15], [sflag:$0x1] =	stream.indirect.gather [hbm4b:s4+s19], $0x80, s31, s19, $0xb8;
	[tilespmem:$0x1E800] =	vst v63  }
0x3f: {  	_ = 	snop  }
0x40: {  	[tilespmem:s20], [sflag:$0x2] =	stream.indirect.gather [hbm4b:s4+s19], $0x80, s19, s19, $0xb8;
	[tilespmem:$0x1E800] =	vst v63  }
0x41: {  	_ =	swait.ge [sflag:s17], $0x4000  }
0x42: {  	[sflag:s17] =	ssyncset.done $0x0  }
0x43: {  	s29 =	simm.s32 $0x1400;
	[sflag:s17] =	ssyncadd.s32 $0xFFFFC000  }
0x44: {  	[spmem:s2] =	stream.indirect.scatter.add.f32 [tilespmem:s15], [sflag:$0x3], $0x80, s29, s19, $0xb8;
	[tilespmem:$0x1E800] =	vst v63  }
0x45: {  	_ =	swait.ge [sflag:s18], $0x4000  }
0x46: {  	[sflag:s18] =	ssyncset.done $0x0  }
0x47: {  	s30 =	simm.s32 $0x1480;
	[sflag:s18] =	ssyncadd.s32 $0xFFFFC000  }
0x48: {  	[spmem:s2] =	stream.indirect.scatter.add.f32 [tilespmem:s20], [sflag:$0x4], $0x80, s30, s19, $0xb8;
	[tilespmem:$0x1E800] =	vst v63  }
0x49: {  	_ =	swait.ge [sflag:s21], $0x4000  }
0x4a: {  	[sflag:s21] =	ssyncset.done $0x0  }
0x4b: {  	s31 =	simm.s32 $0x100;
	[sflag:s21] =	ssyncadd.s32 $0xFFFFC000  }
0x4c: {  	[tilespmem:s15], [sflag:$0x1] =	stream.indirect.gather [hbm4b:s4+s19], $0x80, s31, s19, $0xb8;
	[tilespmem:$0x1E800] =	vst v63  }
0x4d: {  	_ =	swait.ge [sflag:s22], $0x4000  }
0x4e: {  	[sflag:s22] =	ssyncset.done $0x0  }
0x4f: {  	s26 =	simm.s32 $0x400;
	s28 =	simm.s32 $0x180;
	[sflag:s22] =	ssyncadd.s32 $0xFFFFC000  }
.LBB2_4:
0x50: {  	[tilespmem:s20], [sflag:$0x2] =	stream.indirect.gather [hbm4b:s4+s19], $0x80, s28, s19, $0xb8;
	[tilespmem:$0x1E800] =	vst v63  }
0x51: {  	s28 =	smov.u32 s26  }
0x52: {  	p0 =	sne.s32 s26, $0x4800;
	s26 =	sadd.s32 $0x400, s26;
	_ =	swait.ge [sflag:s17], $0x4000  }
0x53: {  	s28 =	sshra.s32 s28, $0x2;
	[sflag:s17] =	ssyncset.done $0x0  }
0x54: {  	s29 =	sadd.s32 $0x1400, s28;
	[sflag:s17] =	ssyncadd.s32 $0xFFFFC000  }
0x55: {  	[spmem:s2] =	stream.indirect.scatter.add.f32 [tilespmem:s15], [sflag:$0x3], $0x80, s29, s19, $0xb8;
	[tilespmem:$0x1E800] =	vst v63  }
0x56: {  	_ =	swait.ge [sflag:s18], $0x4000  }
0x57: {  	[sflag:s18] =	ssyncset.done $0x0  }
0x58: {  	s29 =	sadd.s32 $0x1480, s28;
	[sflag:s18] =	ssyncadd.s32 $0xFFFFC000  }
0x59: {  	[spmem:s2] =	stream.indirect.scatter.add.f32 [tilespmem:s20], [sflag:$0x4], $0x80, s29, s19, $0xb8;
	[tilespmem:$0x1E800] =	vst v63  }
0x5a: {  	_ =	swait.ge [sflag:s21], $0x4000  }
0x5b: {  	[sflag:s21] =	ssyncset.done $0x0  }
.Ltmp1:
0x5c: {  	s29 =	sadd.s32 $0x100, s28;
	[sflag:s21] =	ssyncadd.s32 $0xFFFFC000;
	(pc) =	sbr.rel @p0 .LBB2_4-.Ltmp1, $4  }
0x5d: {  	[tilespmem:s15], [sflag:$0x1] =	stream.indirect.gather [hbm4b:s4+s19], $0x80, s29, s19, $0xb8;
	[tilespmem:$0x1E800] =	vst v63  }
0x5e: {  	_ =	swait.ge [sflag:s22], $0x4000  }
0x5f: {  	[sflag:s22] =	ssyncset.done $0x0  }
0x60: {  	s28 =	sadd.s32 $0x180, s28;
	[sflag:s22] =	ssyncadd.s32 $0xFFFFC000  }
0x61: {  	[tilespmem:s20], [sflag:$0x2] =	stream.indirect.gather [hbm4b:s4+s19], $0x80, s28, s19, $0xb8;
	[tilespmem:$0x1E800] =	vst v63  }
0x62: {  	_ =	swait.ge [sflag:s17], $0x4000  }
0x63: {  	[sflag:s17] =	ssyncset.done $0x0  }
0x64: {  	[sflag:s17] =	ssyncadd.s32 $0xFFFFC000  }
0x65: {  	[spmem:s2] =	stream.indirect.scatter.add.f32 [tilespmem:s15], [sflag:$0x3], $0x80, s23, s19, $0xb8;
	[tilespmem:$0x1E800] =	vst v63  }
0x66: {  	_ =	swait.ge [sflag:s18], $0x4000  }
0x67: {  	[sflag:s18] =	ssyncset.done $0x0  }
0x68: {  	[sflag:s18] =	ssyncadd.s32 $0xFFFFC000  }
0x69: {  	[spmem:s2] =	stream.indirect.scatter.add.f32 [tilespmem:s20], [sflag:$0x4], $0x80, s24, s19, $0xb8;
	[tilespmem:$0x1E800] =	vst v63  }
0x6a: {  	_ =	swait.ge [sflag:s21], $0x4000  }
0x6b: {  	[sflag:s21] =	ssyncset.done $0x0  }
0x6c: {  	[sflag:s21] =	ssyncadd.s32 $0xFFFFC000  }
0x6d: {  	_ =	swait.ge [sflag:s22], $0x4000  }
0x6e: {  	s26 =	sshll.u32 s0, $0x6;
	s25 =	sadd.s32 $0x1, s25;
	[sflag:s22] =	ssyncset.done $0x0  }
0x6f: {  	s31 =	sshrl.u32 s7, $0x3;
	p0 =	sne.s32 s25, s9;
	[sflag:s22] =	ssyncadd.s32 $0xFFFFC000  }
.Ltmp2:
0x70: {  	s26 =	sor.u32 $0x1C05, s26;
	[bflag:$0x0] =	sbarrier.arrive $0xFFFF;
	(pc) =	sbr.rel @p0 .LBB2_1-.Ltmp2, $4  }
0x71: {  	[hbm:s8], [sflag:s26] =	dma.local [spmem:s31], $0x2800  }
0x72: {  	_ =	swait.ge [sflag:s16], $0x2800  }
0x73: {  	[sflag:s16] =	ssyncset.done $0x0  }
0x74: {  	[sflag:s16] =	ssyncadd.s32 $0xFFFFD800  }
0x75: {  	_ =	sfence.sel $0x180000  }
0x76: {  	[bflag:$0x0] =	sbarrier.arrive $0xFFFF  }
0x77: {  	p0 =	sne.s32 s0, $0x0;
	_ =	strace $0x9000004D  }
0x78: {  	s0 =	sadd.s32 @!p0 $0x100000, s1;
	[bflag:$0x2] =	sbarrier.arrive $0xFFFF  }
0x79: {  	[sflag:s0] =	ssyncadd.tile.s32 @!p0 $0x1;
	_ =	shalt  }
.Lfunc_end2:
_tile_overlayer_lowered:
.L_overlay_start_2:
0x7a: {  	(tag) =	ssettag $0x2  }
0x7b: {  	s0 =	rddreg [dreg:$0x0];
	s2 =	stileid.u32  }
0x7c: {  	s1 =	rddreg [dreg:$0x1];
	p0 =	sne.s32 s2, $0x0  }
0x7d: {  	s3 =	rddreg [dreg:$0x2];
	[bflag:$0x3] =	sbarrier.arrive $0xFFFF;
	s2 =	simm.s32 @!p0 $0x1C05  }
0x7e: {  	[timem:s3], [sflag:s2] =	dma.local @!p0 [hbm:s0], s1  }
0x7f: {  	s0 =	simm.s32 @!p0 $0x5  }
0x80: {  	_ =	swait.ge @!p0 [sflag:s0], s1  }
0x81: {  	s1 =	ssub.s32 @!p0 $0x0, s1;
	[sflag:s0] =	ssyncset.done @!p0 $0x0  }
0x82: {  	[sflag:s0] =	ssyncadd.s32 @!p0 s1  }
0x83: {  	[bflag:$0x3] =	sbarrier.arrive $0xFFFF  }
0x84: {  	_ =	shalt  }

// kernel: kernel.9.cloned.1.call-start
scs
__scs_entry_jumppad:
0x0: {  	(pc) =	sbr.rel $0x88, $3  }
0x1: {  	(tag) =	ssettag $0x0;
	lr =	simm.s32 $0x1  }
0x2: {  	[smem:$0x3F94] =	sst lr;
	_ =	strace $0xD0000000  }
0x3: {  	_ = 	snop  }
0x4: {  	_ = 	snop  }
0x5: {  	_ = 	snop  }
0x6: {  	_ = 	snop  }
0x7: {  	_ = 	snop  }
__scs_overlays_trampoline_lowered:
0x8: {  	[smem:$0x3FA3] =	sst s0  }
0x9: {  	[smem:$0x3FA4] =	sst s1  }
0xa: {  	[smem:$0x3FA5] =	sst s2  }
0xb: {  	[smem:$0x3FA6] =	sst s3  }
0xc: {  	[smem:$0x3FA7] =	sst s4  }
0xd: {  	[smem:$0x3FA8] =	sst s5  }
0xe: {  	[smem:$0x3FA9] =	sst s6  }
0xf: {  	[smem:$0x3FAA] =	sst s7  }
0x10: {  	[smem:$0x3FAB] =	sst s8  }
0x11: {  	[smem:$0x3FAC] =	sst s9;
	s0 =	simm.s32 @!p0 $0x0  }
0x12: {  	s1 =	sld [smem:$0x3F92];
	s0 =	simm.s32 @p0 $0x1  }
0x13: {  	[smem:$0x3FAD] =	sst s0;
	s0 =	simm.s32 @!p1 $0x0  }
0x14: {  	s2 =	sld [smem:$0x3F91];
	s0 =	simm.s32 @p1 $0x1  }
0x15: {  	[smem:$0x3FAE] =	sst s0;
	s0 =	simm.s32 @!p2 $0x0  }
0x16: {  	s3 =	sld [smem:$0x3FDB];
	s0 =	simm.s32 @p2 $0x1  }
0x17: {  	s4 =	simm.s32 $0x1BF5;
	[smem:$0x3FB0] =	sst s0  }
0x18: {  	s0 =	sld [smem:$0x3F93];
	_ =	swait.ge [sflag:s4], $0x0  }
0x19: {  	s7 =	sld [smem:$0x3F94]  }
0x1a: {  	s8 =	sadd.s32 $0xFFFFE003, lr  }
0x1b: {  	s9 =	sadd.s32 $0xFFFFFEF7, lr;
	s5 =	simm.s32 $0xFFFFFFFF;
	p2 =	slt.u32 s8, $0xFFFFF086  }
0x1c: {  	p1 =	slt.u32 s9, $0xF7A;
	s5 =	simm.s32 @!p2 $0x0  }
0x1d: {  	s5 =	simm.s32 @p1 $0x1;
	p0 =	seq.s32 s7, s2  }
0x1e: {  	s7 =	smul.u32 @!p0 $0xF7A, s2;
	p2 =	seq.s32 @!p0 s5, $0x0  }
0x1f: {  	s9 =	smul.u32 $0xF7A, s1;
	s8 =	simm.s32 @!p0 $0x1BF5;
	p2 =	por !p2, p0  }
0x20: {  	[sflag:s8] =	ssyncset.s32 @!p0 $0xFFFFF086;
	s6 =	sadd.s32 @!p0 s3, s7;
	s7 =	simm.s32 @!p0 $0x108  }
0x21: {  	s3 =	sadd.s32 s3, s9;
	s6 =	sadd.s32 @!p0 $0x88, s6;
	s7 =	simm.s32 @p2 $0x1082  }
0x22: {  	[simem:s7], [sflag:s8] =	dma.local @!p0 [hbm:s6], $0xF7A  }
0x23: {  	s9 =	sor.u32 $0xD0000000, s2;
	s6 =	simm.s32 $0x108;
	_ =	swait.ge @!p0 [sflag:s8], $0x0  }
0x24: {  	s3 =	sadd.s32 $0x88, s3;
	s6 =	simm.s32 @!p1 $0x1082;
	[sflag:s4] =	ssyncset.s32 $0xFFFFF086  }
0x25: {  	[simem:s6], [sflag:s4] =	dma.local [hbm:s3], $0xF7A  }
0x26: {  	[smem:$0x3F94] =	sst s1;
	(tag) =	ssettag s2;
	_ =	strace s9  }
0x27: {  	s1 =	sld [smem:$0x3FA4]  }
0x28: {  	s2 =	sld [smem:$0x3FA5]  }
0x29: {  	s4 =	sld [smem:$0x3FA7]  }
0x2a: {  	p0 =	seq.s32 s5, $0x0;
	s5 =	sld [smem:$0x3FA8]  }
0x2b: {  	s6 =	sld [smem:$0x3FA9]  }
0x2c: {  	s7 =	sld [smem:$0x3FAA]  }
0x2d: {  	s3 =	simm.s32 $0x108;
	s8 =	sld [smem:$0x3FAB]  }
0x2e: {  	s3 =	simm.s32 @!p0 $0x1082;
	s9 =	sld [smem:$0x3FAC]  }
0x2f: {  	lr =	sadd.s32 s0, s3;
	s0 =	sld [smem:$0x3FA3]  }
0x30: {  	s3 =	sld [smem:$0x3FA6]  }
0x31: {  	[smem:$0x3FAF] =	sst s10  }
0x32: {  	s10 =	sld [smem:$0x3FAD];
	_ =	sdelay $0x3  }
0x33: {  	p0 =	seq.s32 s10, $0x1;
	s10 =	sld [smem:$0x3FAF];
	_ =	sdelay $0x3  }
0x34: {  	[smem:$0x3FAF] =	sst s10  }
0x35: {  	s10 =	sld [smem:$0x3FAE];
	_ =	sdelay $0x3  }
0x36: {  	p1 =	seq.s32 s10, $0x1;
	s10 =	sld [smem:$0x3FAF];
	_ =	sdelay $0x3  }
0x37: {  	[smem:$0x3FAF] =	sst s10  }
0x38: {  	s10 =	sld [smem:$0x3FB0]  }
0x39: {  	_ = 	snop;
	(pc) =	sbr.ind lr, $3  }
0x3a: {  	_ = 	snop  }
0x3b: {  	_ = 	snop  }
0x3c: {  	p2 =	seq.s32 s10, $0x1;
	s10 =	sld [smem:$0x3FAF]  }
0x3d: {  	_ =	shalt  }
0x3e: {  	_ =	shalt  }
0x3f: {  	_ =	shalt  }
0x40: {  	_ =	shalt  }
0x41: {  	_ =	shalt  }
0x42: {  	_ =	shalt  }
0x43: {  	_ =	shalt  }
0x44: {  	_ =	shalt  }
0x45: {  	_ =	shalt  }
0x46: {  	_ =	shalt  }
0x47: {  	_ =	shalt  }
0x48: {  	_ =	shalt  }
0x49: {  	_ =	shalt  }
0x4a: {  	_ =	shalt  }
0x4b: {  	_ =	shalt  }
0x4c: {  	_ =	shalt  }
0x4d: {  	_ =	shalt  }
0x4e: {  	_ =	shalt  }
0x4f: {  	_ =	shalt  }
0x50: {  	_ =	shalt  }
0x51: {  	_ =	shalt  }
0x52: {  	_ =	shalt  }
0x53: {  	_ =	shalt  }
0x54: {  	_ =	shalt  }
0x55: {  	_ =	shalt  }
0x56: {  	_ =	shalt  }
0x57: {  	_ =	shalt  }
0x58: {  	_ =	shalt  }
0x59: {  	_ =	shalt  }
0x5a: {  	_ =	shalt  }
0x5b: {  	_ =	shalt  }
0x5c: {  	_ =	shalt  }
0x5d: {  	_ =	shalt  }
0x5e: {  	_ =	shalt  }
0x5f: {  	_ =	shalt  }
0x60: {  	_ =	shalt  }
0x61: {  	_ =	shalt  }
0x62: {  	_ =	shalt  }
0x63: {  	_ =	shalt  }
0x64: {  	_ =	shalt  }
0x65: {  	_ =	shalt  }
0x66: {  	_ =	shalt  }
0x67: {  	_ =	shalt  }
0x68: {  	_ =	shalt  }
0x69: {  	_ =	shalt  }
0x6a: {  	_ =	shalt  }
0x6b: {  	_ =	shalt  }
0x6c: {  	_ =	shalt  }
0x6d: {  	_ =	shalt  }
0x6e: {  	_ =	shalt  }
0x6f: {  	_ =	shalt  }
0x70: {  	_ =	shalt  }
0x71: {  	_ =	shalt  }
0x72: {  	_ =	shalt  }
0x73: {  	_ =	shalt  }
0x74: {  	_ =	shalt  }
0x75: {  	_ =	shalt  }
0x76: {  	_ =	shalt  }
0x77: {  	_ =	shalt  }
0x78: {  	_ =	shalt  }
0x79: {  	_ =	shalt  }
0x7a: {  	_ =	shalt  }
0x7b: {  	_ =	shalt  }
0x7c: {  	_ =	shalt  }
0x7d: {  	_ =	shalt  }
0x7e: {  	_ =	shalt  }
0x7f: {  	_ =	shalt  }
0x80: {  	_ =	shalt  }
0x81: {  	_ =	shalt  }
0x82: {  	_ =	shalt  }
0x83: {  	_ =	shalt  }
0x84: {  	_ =	shalt  }
0x85: {  	_ =	shalt  }
0x86: {  	_ =	shalt  }
0x87: {  	_ =	shalt  }
.Lfunc_end0:
.L_simem_size_0:
called_computation_lowered:
.L_overlay_start_0:
0x88: {  	s2 =	sld [smem:$0x3FD9]  }
0x89: {  	s3 =	sld [smem:$0x3FFE];
	_ =	sdelay $0x1  }
0x8a: {  	s1 =	srdreg.scid  }
0x8b: {  	s0 =	sand.u32 $0x1, s1  }
0x8c: {  	s16 =	sshll.u32 s0, $0xA;
	s2 =	sadd.s32 s3, s2  }
0x8d: {  	s2 =	sadd.s32 s2, s16  }
0x8e: {  	[smem:$0x3FBB] =	sst s2  }
0x8f: {  	_ = 	snop  }
0x90: {  	(tm) =	ssettm $0x1  }
0x91: {  	s17 =	sld [smem:$0x3FFB];
	_ =	sdelay $0x3  }
0x92: {  	_ =	strace s17  }
0x93: {  	s2 =	sld [smem:$0x3FFC];
	_ =	sdelay $0x3  }
0x94: {  	_ =	strace s2  }
0x95: {  	s2 =	sld [smem:$0x3FFD];
	_ =	sdelay $0x3  }
0x96: {  	_ =	strace s2  }
0x97: {  	_ =	strace $0x8FFFFFFF  }
0x98: {  	s18 =	sld [smem:$0x3FDB];
	_ =	sdelay $0x1  }
0x99: {  	s19 =	simm.s32 $_scs_section_size  }
0x9a: {  	s4 =	simm.s32 $_size__tile_overlayer_lowered;
	s5 =	simm.s32 $_tile_overlayer_lowered  }
0x9b: {  	s22 =	simm.s32 $0x1BFF;
	s21 =	sshll.u32 s5, $0x1;
	s2 =	sadd.s32 s19, s18  }
0x9c: {  	s6 =	simm.s32 $0x0;
	s20 =	sshll.u32 s4, $0x1;
	s4 =	sadd.s32 s21, s2  }
0x9d: {  	[timem:s6], [sflag:s22] =	dma.local [hbm:s4], s20  }
0x9e: {  	_ =	swait.ge [sflag:s22], s20  }
0x9f: {  	s3 =	ssub.s32 $0x0, s20;
	[sflag:s22] =	ssyncset.done $0x0  }
0xa0: {  	[sflag:s22] =	ssyncadd.s32 s3;
	_ =	sdelay $0x1  }
0xa1: {  	s23 =	simm.s32 $0x1B8B  }
0xa2: {  	_ =	swait.ge [sflag:s23], $0x1  }
0xa3: {  	[sflag:s23] =	ssyncset.done $0x0  }
0xa4: {  	s25 =	simm.s32 $0x1B8E;
	s24 =	sld [smem:$0x3FFE];
	[sflag:s23] =	ssyncadd.s32 $0xFFFFFFFF  }
0xa5: {  	s26 =	simm.s32 $execute0_lowered;
	[smem:$0x3FD2] =	sst s25  }
0xa6: {  	s4 =	sshll.u32 s26, $0x1;
	_ =	strace $0x80000046;
	[dreg:$0x1] =	wrdreg $0xFFFFFFFF  }
0xa7: {  	s28 =	simm.s32 $_size_execute0_lowered;
	s2 =	sadd.s32 s2, s4;
	[dreg:$0x0] =	wrdreg $0x0  }
0xa8: {  	s4 =	sshll.u32 s28, $0x1;
	[dreg:$0x2] =	wrdreg s2  }
0xa9: {  	[dreg:$0x3] =	wrdreg s4  }
0xaa: {  	[dreg:$0x4] =	wrdreg $0xC0  }
0xab: {  	_ =	task [dreg:s6], $0x5FFFF  }
0xac: {  	[dreg:$0x1] =	wrdreg $0xFFFFFFFF  }
0xad: {  	[dreg:$0x0] =	wrdreg $0x60  }
0xae: {  	[dreg:$0x2] =	wrdreg s24  }
0xaf: {  	[dreg:$0x3] =	wrdreg $0xA8000  }
0xb0: {  	[dreg:$0x4] =	wrdreg $0x9  }
0xb1: {  	_ =	task.clear_ibuf [dreg:s6], $0x5FFFF;
	_ =	strace $0x90000046  }
0xb2: {  	s29 =	simm.s32 $0x9;
	_ =	strace $0x80000048  }
0xb3: {  	_ =	swait.ge [sflag:s29], $0x1  }
0xb4: {  	[sflag:s29] =	ssyncadd.s32 $0xFFFFFFFF  }
0xb5: {  	_ =	strace $0x90000048  }
0xb6: {  	_ =	sfence  }
0xb7: {  	s30 =	sld [smem:$0x0];
	_ =	sdelay $0x2  }
0xb8: {  	s31 =	sshll.u32 s1, $0xD;
	s1 =	sshrl.u32 s1, $0x2  }
0xb9: {  	s3 =	sand.u32 $0x4000, s31;
	s1 =	sadd.s32 s1, s30  }
0xba: {  	s0 =	sor.u32 s3, s0;
	s1 =	sshll.u32 s1, $0x11  }
0xbb: {  	s0 =	sor.u32 s1, s0  }
0xbc: {  	s0 =	sadd.s32 $0x8F2B, s0  }
0xbd: {  	[sflag:s0] =	ssyncadd.remote.s32 $0x1  }
0xbe: {  	_ =	sfence.sel $0xFFFF  }
0xbf: {  	[dreg:$0x0] =	wrdreg $0xFFFFFFFF;
	(pc) =	sbr.abs _section_cstart, $3  }
0xc0: {  	[dreg:$0x1] =	wrdreg $0xFFFFFFFF  }
0xc1: {  	_ =	task.clear_ibuf [dreg:s6], $0x2FFFF;
	_ =	strace $0x9FFFFFFF  }
0xc2: {  	(tm) =	ssettm $0x7FFFFFFF  }
0xc3: {  	_ =	shalt  }
tec
execute0_lowered:
.L_overlay_start_1:
0x0: {  	(tag) =	ssettag $0x1  }
0x1: {  	s1 =	srdreg.scid;
	s5 =	rddreg [dreg:$0x0]  }
0x2: {  	s0 =	stileid.u32;
	s2 =	rddreg [dreg:$0x1];
	s3 =	simm.s32 $0x0  }
0x3: {  	s14 =	simm.s32 $0x1400;
	s15 =	simm.s32 $0x2800;
	s16 =	simm.s32 $0x5  }
0x4: {  	s17 =	simm.s32 $0x1;
	s18 =	simm.s32 $0x2;
	s19 =	simm.s32 $0x80  }
0x5: {  	s20 =	simm.s32 $0x6800;
	s21 =	simm.s32 $0x3;
	s22 =	simm.s32 $0x4  }
0x6: {  	s23 =	simm.s32 $0x2700;
	s24 =	simm.s32 $0x2780;
	s25 =	simm.s32 $0x0  }
0x7: {  	s4 =	sand.u32 $0x1, s1;
	s1 =	rddreg [dreg:$0x2];
	s8 =	smul.u32 $0x2800, s0  }
0x8: {  	s29 =	sshll.u32 s0, $0x1;
	[smem:$0x7FF] =	sst s3;
	s10 =	smul.u32 $0x50000, s0  }
0x9: {  	s6 =	sor.u32 s4, s29;
	s7 =	smul.u32 $0x28000, s4;
	_ =	strace $0x80000047  }
0xa: {  	s9 =	ssub.s32 $0x2, s4;
	s4 =	sadd.s32 $0x2C00, s5;
	s6 =	smul.u32 $0x280, s6  }
0xb: {  	s30 =	sshrl.u32 s9, $0x1;
	s31 =	sshrl.u32 s10, $0x2;
	s7 =	sadd.s32 s8, s7  }
0xc: {  	s9 =	ssub.s32 s9, s30;
	s6 =	sadd.s32 s6, s5;
	s11 =	sadd.s32 s7, s5  }
0xd: {  	s7 =	sadd.s32 s31, s2;
	s9 =	smax.u32 s9, $0x1;
	s5 =	sadd.s32 $0x9F000, s6  }
0xe: {  	s6 =	sadd.s32 $0xA4000, s6;
	s8 =	sadd.s32 $0x29E00, s11;
	s10 =	sadd.s32 $0x4000, s7  }
0xf: {  	v0 =	vimm.f32 $0.0e+00;
	s11 =	sadd.s32 $0x8000, s7;
	s12 =	sadd.s32 $0xC000, s7;
	s13 =	sadd.s32 $0x10000, s7  }
.LBB2_1:
0x10: {  	[tilespmem:s3], [sflag:$0x1] =	stream.linear.gather [hbm4b:s5+s3], $0x1400, $0x38;
	[tilespmem:$0x1E800] =	vst v63  }
0x11: {  	s26 =	simm.s32 $0x0;
	s28 =	simm.s32 $0x200  }
0x12: {  	[tilespmem:s14], [sflag:$0x2] =	stream.linear.gather [hbm4b:s6+s3], $0x1400, $0x38;
	[tilespmem:$0x1E800] =	vst v63  }
.LBB2_2:
0x13: {  	p0 =	sne.s32 s28, $0xFE00;
	[tilespmem:s26+$0x2870] =	vst v0  }
0x14: {  	[tilespmem:s26+$0x2800] =	vst v0  }
0x15: {  	[tilespmem:s26+$0x2810] =	vst v0  }
.Ltmp0:
0x16: {  	[tilespmem:s26+$0x2820] =	vst v0;
	(pc) =	sbr.rel @p0 .LBB2_2-.Ltmp0, $4  }
0x17: {  	[tilespmem:s26+$0x2830] =	vst v0  }
0x18: {  	[tilespmem:s26+$0x2840] =	vst v0  }
0x19: {  	[tilespmem:s26+$0x2850] =	vst v0  }
0x1a: {  	[tilespmem:s26+$0x2860] =	vst v0;
	s26 =	sshra.s32 s28, $0x2;
	s28 =	sadd.s32 $0x200, s28  }
0x1b: {  	[tilespmem:s26+$0x2870] =	vst v0  }
0x1c: {  	[tilespmem:s26+$0x2800] =	vst v0  }
0x1d: {  	[tilespmem:s26+$0x2810] =	vst v0  }
0x1e: {  	[tilespmem:s26+$0x2820] =	vst v0  }
0x1f: {  	[tilespmem:s26+$0x2830] =	vst v0  }
0x20: {  	[tilespmem:s26+$0x2840] =	vst v0  }
0x21: {  	[tilespmem:s26+$0x2850] =	vst v0  }
0x22: {  	[tilespmem:s26+$0x2860] =	vst v0  }
0x23: {  	[spmem:s7] =	stream.linear.scatter [tilespmem:s15], [sflag:$0x5], $0x4000, $0x38;
	[tilespmem:$0x1E800] =	vst v63  }
0x24: {  	_ =	swait.ge [sflag:s16], $0x4000  }
0x25: {  	[sflag:s16] =	ssyncset.done $0x0  }
0x26: {  	[sflag:s16] =	ssyncadd.s32 $0xFFFFC000  }
0x27: {  	[spmem:s10] =	stream.linear.scatter [tilespmem:s15], [sflag:$0x5], $0x4000, $0x38;
	[tilespmem:$0x1E800] =	vst v63  }
0x28: {  	_ =	swait.ge [sflag:s16], $0x4000  }
0x29: {  	[sflag:s16] =	ssyncset.done $0x0  }
0x2a: {  	[sflag:s16] =	ssyncadd.s32 $0xFFFFC000  }
0x2b: {  	[spmem:s11] =	stream.linear.scatter [tilespmem:s15], [sflag:$0x5], $0x4000, $0x38;
	[tilespmem:$0x1E800] =	vst v63  }
0x2c: {  	_ =	swait.ge [sflag:s16], $0x4000  }
0x2d: {  	[sflag:s16] =	ssyncset.done $0x0  }
0x2e: {  	[sflag:s16] =	ssyncadd.s32 $0xFFFFC000  }
0x2f: {  	[spmem:s12] =	stream.linear.scatter [tilespmem:s15], [sflag:$0x5], $0x4000, $0x38;
	[tilespmem:$0x1E800] =	vst v63  }
0x30: {  	_ =	swait.ge [sflag:s16], $0x4000  }
0x31: {  	[sflag:s16] =	ssyncset.done $0x0  }
0x32: {  	[sflag:s16] =	ssyncadd.s32 $0xFFFFC000  }
0x33: {  	[spmem:s13] =	stream.linear.scatter [tilespmem:s15], [sflag:$0x5], $0x4000, $0x38;
	[tilespmem:$0x1E800] =	vst v63  }
0x34: {  	_ =	swait.ge [sflag:s16], $0x4000  }
0x35: {  	[sflag:s16] =	ssyncset.done $0x0  }
0x36: {  	[sflag:s16] =	ssyncadd.s32 $0xFFFFC000  }
0x37: {  	_ =	swait.ge [sflag:s17], $0x1400  }
0x38: {  	[sflag:s17] =	ssyncset.done $0x0  }
0x39: {  	[sflag:s17] =	ssyncadd.s32 $0xFFFFEC00  }
0x3a: {  	_ =	swait.ge [sflag:s18], $0x1400  }
0x3b: {  	[sflag:s18] =	ssyncset.done $0x0  }
0x3c: {  	[sflag:s18] =	ssyncadd.s32 $0xFFFFEC00  }
0x3d: {  	s31 =	simm.s32 $0x0;
	[bflag:$0x0] =	sbarrier.arrive $0xFFFF  }
0x3e: {  	[tilespmem:s15], [sflag:$0x1] =	stream.indirect.gather [hbm4b:s4+s19], $0x80, s31, s19, $0xb8;
	[tilespmem:$0x1E800] =	vst v63  }
0x3f: {  	_ = 	snop  }
0x40: {  	[tilespmem:s20], [sflag:$0x2] =	stream.indirect.gather [hbm4b:s4+s19], $0x80, s19, s19, $0xb8;
	[tilespmem:$0x1E800] =	vst v63  }
0x41: {  	_ =	swait.ge [sflag:s17], $0x4000  }
0x42: {  	[sflag:s17] =	ssyncset.done $0x0  }
0x43: {  	s29 =	simm.s32 $0x1400;
	[sflag:s17] =	ssyncadd.s32 $0xFFFFC000  }
0x44: {  	[spmem:s2] =	stream.indirect.scatter.add.f32 [tilespmem:s15], [sflag:$0x3], $0x80, s29, s19, $0xb8;
	[tilespmem:$0x1E800] =	vst v63  }
0x45: {  	_ =	swait.ge [sflag:s18], $0x4000  }
0x46: {  	[sflag:s18] =	ssyncset.done $0x0  }
0x47: {  	s30 =	simm.s32 $0x1480;
	[sflag:s18] =	ssyncadd.s32 $0xFFFFC000  }
0x48: {  	[spmem:s2] =	stream.indirect.scatter.add.f32 [tilespmem:s20], [sflag:$0x4], $0x80, s30, s19, $0xb8;
	[tilespmem:$0x1E800] =	vst v63  }
0x49: {  	_ =	swait.ge [sflag:s21], $0x4000  }
0x4a: {  	[sflag:s21] =	ssyncset.done $0x0  }
0x4b: {  	s31 =	simm.s32 $0x100;
	[sflag:s21] =	ssyncadd.s32 $0xFFFFC000  }
0x4c: {  	[tilespmem:s15], [sflag:$0x1] =	stream.indirect.gather [hbm4b:s4+s19], $0x80, s31, s19, $0xb8;
	[tilespmem:$0x1E800] =	vst v63  }
0x4d: {  	_ =	swait.ge [sflag:s22], $0x4000  }
0x4e: {  	[sflag:s22] =	ssyncset.done $0x0  }
0x4f: {  	s26 =	simm.s32 $0x400;
	s28 =	simm.s32 $0x180;
	[sflag:s22] =	ssyncadd.s32 $0xFFFFC000  }
.LBB2_4:
0x50: {  	[tilespmem:s20], [sflag:$0x2] =	stream.indirect.gather [hbm4b:s4+s19], $0x80, s28, s19, $0xb8;
	[tilespmem:$0x1E800] =	vst v63  }
0x51: {  	s28 =	smov.u32 s26  }
0x52: {  	p0 =	sne.s32 s26, $0x4800;
	s26 =	sadd.s32 $0x400, s26;
	_ =	swait.ge [sflag:s17], $0x4000  }
0x53: {  	s28 =	sshra.s32 s28, $0x2;
	[sflag:s17] =	ssyncset.done $0x0  }
0x54: {  	s29 =	sadd.s32 $0x1400, s28;
	[sflag:s17] =	ssyncadd.s32 $0xFFFFC000  }
0x55: {  	[spmem:s2] =	stream.indirect.scatter.add.f32 [tilespmem:s15], [sflag:$0x3], $0x80, s29, s19, $0xb8;
	[tilespmem:$0x1E800] =	vst v63  }
0x56: {  	_ =	swait.ge [sflag:s18], $0x4000  }
0x57: {  	[sflag:s18] =	ssyncset.done $0x0  }
0x58: {  	s29 =	sadd.s32 $0x1480, s28;
	[sflag:s18] =	ssyncadd.s32 $0xFFFFC000  }
0x59: {  	[spmem:s2] =	stream.indirect.scatter.add.f32 [tilespmem:s20], [sflag:$0x4], $0x80, s29, s19, $0xb8;
	[tilespmem:$0x1E800] =	vst v63  }
0x5a: {  	_ =	swait.ge [sflag:s21], $0x4000  }
0x5b: {  	[sflag:s21] =	ssyncset.done $0x0  }
.Ltmp1:
0x5c: {  	s29 =	sadd.s32 $0x100, s28;
	[sflag:s21] =	ssyncadd.s32 $0xFFFFC000;
	(pc) =	sbr.rel @p0 .LBB2_4-.Ltmp1, $4  }
0x5d: {  	[tilespmem:s15], [sflag:$0x1] =	stream.indirect.gather [hbm4b:s4+s19], $0x80, s29, s19, $0xb8;
	[tilespmem:$0x1E800] =	vst v63  }
0x5e: {  	_ =	swait.ge [sflag:s22], $0x4000  }
0x5f: {  	[sflag:s22] =	ssyncset.done $0x0  }
0x60: {  	s28 =	sadd.s32 $0x180, s28;
	[sflag:s22] =	ssyncadd.s32 $0xFFFFC000  }
0x61: {  	[tilespmem:s20], [sflag:$0x2] =	stream.indirect.gather [hbm4b:s4+s19], $0x80, s28, s19, $0xb8;
	[tilespmem:$0x1E800] =	vst v63  }
0x62: {  	_ =	swait.ge [sflag:s17], $0x4000  }
0x63: {  	[sflag:s17] =	ssyncset.done $0x0  }
0x64: {  	[sflag:s17] =	ssyncadd.s32 $0xFFFFC000  }
0x65: {  	[spmem:s2] =	stream.indirect.scatter.add.f32 [tilespmem:s15], [sflag:$0x3], $0x80, s23, s19, $0xb8;
	[tilespmem:$0x1E800] =	vst v63  }
0x66: {  	_ =	swait.ge [sflag:s18], $0x4000  }
0x67: {  	[sflag:s18] =	ssyncset.done $0x0  }
0x68: {  	[sflag:s18] =	ssyncadd.s32 $0xFFFFC000  }
0x69: {  	[spmem:s2] =	stream.indirect.scatter.add.f32 [tilespmem:s20], [sflag:$0x4], $0x80, s24, s19, $0xb8;
	[tilespmem:$0x1E800] =	vst v63  }
0x6a: {  	_ =	swait.ge [sflag:s21], $0x4000  }
0x6b: {  	[sflag:s21] =	ssyncset.done $0x0  }
0x6c: {  	[sflag:s21] =	ssyncadd.s32 $0xFFFFC000  }
0x6d: {  	_ =	swait.ge [sflag:s22], $0x4000  }
0x6e: {  	s26 =	sshll.u32 s0, $0x6;
	s25 =	sadd.s32 $0x1, s25;
	[sflag:s22] =	ssyncset.done $0x0  }
0x6f: {  	s31 =	sshrl.u32 s7, $0x3;
	p0 =	sne.s32 s25, s9;
	[sflag:s22] =	ssyncadd.s32 $0xFFFFC000  }
.Ltmp2:
0x70: {  	s26 =	sor.u32 $0x1C05, s26;
	[bflag:$0x0] =	sbarrier.arrive $0xFFFF;
	(pc) =	sbr.rel @p0 .LBB2_1-.Ltmp2, $4  }
0x71: {  	[hbm:s8], [sflag:s26] =	dma.local [spmem:s31], $0x2800  }
0x72: {  	_ =	swait.ge [sflag:s16], $0x2800  }
0x73: {  	[sflag:s16] =	ssyncset.done $0x0  }
0x74: {  	[sflag:s16] =	ssyncadd.s32 $0xFFFFD800  }
0x75: {  	_ =	sfence.sel $0x180000  }
0x76: {  	[bflag:$0x0] =	sbarrier.arrive $0xFFFF  }
0x77: {  	p0 =	sne.s32 s0, $0x0;
	_ =	strace $0x90000047  }
0x78: {  	s0 =	sadd.s32 @!p0 $0x100000, s1;
	[bflag:$0x2] =	sbarrier.arrive $0xFFFF  }
0x79: {  	[sflag:s0] =	ssyncadd.tile.s32 @!p0 $0x1;
	_ =	shalt  }
.Lfunc_end2:
_tile_overlayer_lowered:
.L_overlay_start_2:
0x7a: {  	(tag) =	ssettag $0x2  }
0x7b: {  	s0 =	rddreg [dreg:$0x0];
	s2 =	stileid.u32  }
0x7c: {  	s1 =	rddreg [dreg:$0x1];
	p0 =	sne.s32 s2, $0x0  }
0x7d: {  	s3 =	rddreg [dreg:$0x2];
	[bflag:$0x3] =	sbarrier.arrive $0xFFFF;
	s2 =	simm.s32 @!p0 $0x1C05  }
0x7e: {  	[timem:s3], [sflag:s2] =	dma.local @!p0 [hbm:s0], s1  }
0x7f: {  	s0 =	simm.s32 @!p0 $0x5  }
0x80: {  	_ =	swait.ge @!p0 [sflag:s0], s1  }
0x81: {  	s1 =	ssub.s32 @!p0 $0x0, s1;
	[sflag:s0] =	ssyncset.done @!p0 $0x0  }
0x82: {  	[sflag:s0] =	ssyncadd.s32 @!p0 s1  }
0x83: {  	[bflag:$0x3] =	sbarrier.arrive $0xFFFF  }
0x84: {  	_ =	shalt  }

</sc_bundles>
